<compile_context>
chip_gen: v7x
topology: tpu7x:2x2x1
jax: 0.10.2.dev20260603
libtpu: 0.0.44.dev20260713+nightly
codegen_flags: <defaults>
</compile_context>

<pallas_src>
import functools

import jax
import jax.numpy as jnp
from jax import lax
from jax.experimental import pallas as pl
from jax.experimental.pallas import tpu as pltpu
from jax.experimental.pallas import tpu_sc as plsc

SEQ = 8192
DIM = 1024

_NUM_CORES = 2
_NUM_SUBCORES = 16
_NW = _NUM_CORES * _NUM_SUBCORES
_ROWS_PER_W = SEQ // _NW
_CHUNK = 32
_NBUF = 3
_NCHUNK = _ROWS_PER_W // _CHUNK

_mesh = plsc.VectorSubcoreMesh(core_axis_name="c", subcore_axis_name="s")


@functools.partial(
    pl.kernel,
    mesh=_mesh,
    out_type=jax.ShapeDtypeStruct((SEQ, 1, DIM), jnp.float32),
    scratch_types=(
        [pltpu.VMEM((_CHUNK, 1, DIM), jnp.float32) for _ in range(_NBUF)]
        + [pltpu.SemaphoreType.DMA for _ in range(2 * _NBUF)]
    ),
)
def _sc_copy(embed_hbm, out_hbm, *scratch):
    bufs = scratch[:_NBUF]
    isems = scratch[_NBUF:2 * _NBUF]
    osems = scratch[2 * _NBUF:]
    wid = lax.axis_index("s") * _NUM_CORES + lax.axis_index("c")
    base = wid * _ROWS_PER_W

    def in_copy(i):
        return pltpu.async_copy(
            embed_hbm.at[pl.ds(base + i * _CHUNK, _CHUNK)],
            bufs[i % _NBUF].at[:, 0, :],
            isems[i % _NBUF],
        )

    def out_copy(i):
        return pltpu.async_copy(
            bufs[i % _NBUF],
            out_hbm.at[pl.ds(base + i * _CHUNK, _CHUNK)],
            osems[i % _NBUF],
        )

    ins = [None] * _NCHUNK
    outs = [None] * _NCHUNK
    for i in range(min(_NBUF, _NCHUNK)):
        ins[i] = in_copy(i)
    for i in range(_NCHUNK):
        ins[i].wait()
        outs[i] = out_copy(i)
        nxt = i + _NBUF
        if nxt < _NCHUNK:
            outs[i].wait()
            ins[nxt] = in_copy(nxt)
    for i in range(max(0, _NCHUNK - _NBUF), _NCHUNK):
        outs[i].wait()


def kernel(input, embed):
    return _sc_copy(embed)

# --- scband reference (transcript-rebuilt; emitter-appended) ---
"""Pipeline reference for scband-position-embedding-90795608637702 (READ-ONLY COPY).

The authoritative reference and input builder live on the scoring server;
editing this copy changes nothing except your own understanding.
"""

import jax, jax.numpy as jnp
import numpy as np

SEQ_LEN = 8192
EMBED_DIM = 1024


def setup_inputs(seed: int = 0) -> dict:
    key = jax.random.key(seed)
    k1, k2 = jax.random.split(key)
    inp = jax.random.normal(k1, (2, SEQ_LEN, EMBED_DIM), dtype=jnp.float32)
    embed = jax.random.normal(k2, (SEQ_LEN, EMBED_DIM), dtype=jnp.float32)
    return {"input": inp, "embed": embed}


def reference(input, embed):
    # position buffer: arange(seq_len).unsqueeze(-1) -> [S, 1]
    position = jnp.arange(SEQ_LEN)[:, None]
    # nn.Embedding lookup: table[position] -> [S, 1, C]
    out = embed[position]
    return out

if __name__ == "__main__":
    import jax
    _d = setup_inputs()
    print(jax.jit(kernel)(*tuple(_d.values())))

</pallas_src>

<mosaic_0001>
#map = affine_map<(d0, d1) -> (0, 0)>
#map1 = affine_map<(d0, d1) -> (0, 0, 0)>
module attributes {stable_mosaic.version = 14 : i64} {
  func.func @_sc_copy(%arg0: i32, %arg1: i32, %arg2: memref<8192x1024xf32, #tpu.memory_space<hbm>>, %arg3: memref<8192x1x1024xf32, #tpu.memory_space<hbm>>, %arg4: memref<32x1x1024xf32, #tpu.memory_space<vmem>>, %arg5: memref<32x1x1024xf32, #tpu.memory_space<vmem>>, %arg6: memref<32x1x1024xf32, #tpu.memory_space<vmem>>, %arg7: memref<!tpu.dma_semaphore, #tpu.memory_space<semaphore_mem>>, %arg8: memref<!tpu.dma_semaphore, #tpu.memory_space<semaphore_mem>>, %arg9: memref<!tpu.dma_semaphore, #tpu.memory_space<semaphore_mem>>, %arg10: memref<!tpu.dma_semaphore, #tpu.memory_space<semaphore_mem>>, %arg11: memref<!tpu.dma_semaphore, #tpu.memory_space<semaphore_mem>>, %arg12: memref<!tpu.dma_semaphore, #tpu.memory_space<semaphore_mem>>) attributes {dimension_semantics = [#tpu.dimension_semantics<core_parallel>, #tpu.dimension_semantics<subcore_parallel>], iteration_bounds = array<i64: 2, 16>, scalar_prefetch = 0 : i64, scratch_operands = 9 : i64, tpu.core_type = #tpu.core_type<sc_vector_subcore>, window_params = [{transform_indices = #map}, {transform_indices = #map1}]} {
    %mul3A = arith.constant 2 : i32
    %mul3A_0 = arith.muli %arg1, %mul3A : i32
    %add3A = arith.addi %mul3A_0, %arg0 : i32
    %mul3A_1 = arith.constant 256 : i32
    %mul3A_2 = arith.muli %add3A, %mul3A_1 : i32
    %add3A_3 = arith.constant 0 : i32
    %add3A_4 = arith.addi %mul3A_2, %add3A_3 : i32
    %dma_start3A = arith.constant 0 : i32
    %dma_start3A_5 = arith.constant 0 : i32
    %dma_start3A_6 = arith.constant 0 : i32
    %dma_start3A_7 = tpu.memref_slice %arg4[%dma_start3A_5, %dma_start3A, %dma_start3A_6] : memref<32x1x1024xf32, #tpu.memory_space<vmem>> -> memref<32x1x1024xf32, #tpu.memory_space<vmem>>
    %dma_start3A_8 = tpu.memref_squeeze %dma_start3A_7 : memref<32x1x1024xf32, #tpu.memory_space<vmem>> -> memref<32x1024xf32, #tpu.memory_space<vmem>>
    %dma_start3A_9 = arith.constant 0 : i32
    %dma_start3A_10 = tpu.memref_slice %arg2[%add3A_4, %dma_start3A_9] : memref<8192x1024xf32, #tpu.memory_space<hbm>> -> memref<32x1024xf32, #tpu.memory_space<hbm>>
    %dma_start3A_11 = arith.constant 0 : i32
    %dma_start3A_12 = arith.constant 0 : i32
    %dma_start3A_13 = tpu.memref_slice %arg4[%dma_start3A_11, %dma_start3A, %dma_start3A_12] : memref<32x1x1024xf32, #tpu.memory_space<vmem>> -> memref<32x1x1024xf32, #tpu.memory_space<vmem>>
    %dma_start3A_14 = tpu.memref_squeeze %dma_start3A_13 : memref<32x1x1024xf32, #tpu.memory_space<vmem>> -> memref<32x1024xf32, #tpu.memory_space<vmem>>
    %dma_start3A_15 = arith.constant 0 : i32
    %dma_start3A_16 = tpu.memref_slice %arg2[%add3A_4, %dma_start3A_15] : memref<8192x1024xf32, #tpu.memory_space<hbm>> -> memref<32x1024xf32, #tpu.memory_space<hbm>>
    tpu.enqueue_dma source(%dma_start3A_16 : memref<32x1024xf32, #tpu.memory_space<hbm>>) target(%dma_start3A_14 : memref<32x1024xf32, #tpu.memory_space<vmem>>) target_semaphore(%arg7 : memref<!tpu.dma_semaphore, #tpu.memory_space<semaphore_mem>>)
    %add3A_17 = arith.constant 32 : i32
    %add3A_18 = arith.addi %mul3A_2, %add3A_17 : i32
    %dma_start3A_19 = arith.constant 0 : i32
    %dma_start3A_20 = arith.constant 0 : i32
    %dma_start3A_21 = arith.constant 0 : i32
    %dma_start3A_22 = tpu.memref_slice %arg5[%dma_start3A_20, %dma_start3A_19, %dma_start3A_21] : memref<32x1x1024xf32, #tpu.memory_space<vmem>> -> memref<32x1x1024xf32, #tpu.memory_space<vmem>>
    %dma_start3A_23 = tpu.memref_squeeze %dma_start3A_22 : memref<32x1x1024xf32, #tpu.memory_space<vmem>> -> memref<32x1024xf32, #tpu.memory_space<vmem>>
    %dma_start3A_24 = arith.constant 0 : i32
    %dma_start3A_25 = tpu.memref_slice %arg2[%add3A_18, %dma_start3A_24] : memref<8192x1024xf32, #tpu.memory_space<hbm>> -> memref<32x1024xf32, #tpu.memory_space<hbm>>
    %dma_start3A_26 = arith.constant 0 : i32
    %dma_start3A_27 = arith.constant 0 : i32
    %dma_start3A_28 = tpu.memref_slice %arg5[%dma_start3A_26, %dma_start3A_19, %dma_start3A_27] : memref<32x1x1024xf32, #tpu.memory_space<vmem>> -> memref<32x1x1024xf32, #tpu.memory_space<vmem>>
    %dma_start3A_29 = tpu.memref_squeeze %dma_start3A_28 : memref<32x1x1024xf32, #tpu.memory_space<vmem>> -> memref<32x1024xf32, #tpu.memory_space<vmem>>
    %dma_start3A_30 = arith.constant 0 : i32
    %dma_start3A_31 = tpu.memref_slice %arg2[%add3A_18, %dma_start3A_30] : memref<8192x1024xf32, #tpu.memory_space<hbm>> -> memref<32x1024xf32, #tpu.memory_space<hbm>>
    tpu.enqueue_dma source(%dma_start3A_31 : memref<32x1024xf32, #tpu.memory_space<hbm>>) target(%dma_start3A_29 : memref<32x1024xf32, #tpu.memory_space<vmem>>) target_semaphore(%arg8 : memref<!tpu.dma_semaphore, #tpu.memory_space<semaphore_mem>>)
    %add3A_32 = arith.constant 64 : i32
    %add3A_33 = arith.addi %mul3A_2, %add3A_32 : i32
    %dma_start3A_34 = arith.constant 0 : i32
    %dma_start3A_35 = arith.constant 0 : i32
    %dma_start3A_36 = arith.constant 0 : i32
    %dma_start3A_37 = tpu.memref_slice %arg6[%dma_start3A_35, %dma_start3A_34, %dma_start3A_36] : memref<32x1x1024xf32, #tpu.memory_space<vmem>> -> memref<32x1x1024xf32, #tpu.memory_space<vmem>>
    %dma_start3A_38 = tpu.memref_squeeze %dma_start3A_37 : memref<32x1x1024xf32, #tpu.memory_space<vmem>> -> memref<32x1024xf32, #tpu.memory_space<vmem>>
    %dma_start3A_39 = arith.constant 0 : i32
    %dma_start3A_40 = tpu.memref_slice %arg2[%add3A_33, %dma_start3A_39] : memref<8192x1024xf32, #tpu.memory_space<hbm>> -> memref<32x1024xf32, #tpu.memory_space<hbm>>
    %dma_start3A_41 = arith.constant 0 : i32
    %dma_start3A_42 = arith.constant 0 : i32
    %dma_start3A_43 = tpu.memref_slice %arg6[%dma_start3A_41, %dma_start3A_34, %dma_start3A_42] : memref<32x1x1024xf32, #tpu.memory_space<vmem>> -> memref<32x1x1024xf32, #tpu.memory_space<vmem>>
    %dma_start3A_44 = tpu.memref_squeeze %dma_start3A_43 : memref<32x1x1024xf32, #tpu.memory_space<vmem>> -> memref<32x1024xf32, #tpu.memory_space<vmem>>
    %dma_start3A_45 = arith.constant 0 : i32
    %dma_start3A_46 = tpu.memref_slice %arg2[%add3A_33, %dma_start3A_45] : memref<8192x1024xf32, #tpu.memory_space<hbm>> -> memref<32x1024xf32, #tpu.memory_space<hbm>>
    tpu.enqueue_dma source(%dma_start3A_46 : memref<32x1024xf32, #tpu.memory_space<hbm>>) target(%dma_start3A_44 : memref<32x1024xf32, #tpu.memory_space<vmem>>) target_semaphore(%arg9 : memref<!tpu.dma_semaphore, #tpu.memory_space<semaphore_mem>>)
    %dma_wait3A = arith.constant 0 : i32
    %dma_wait3A_47 = arith.constant 0 : i32
    %dma_wait3A_48 = arith.constant 0 : i32
    %dma_wait3A_49 = tpu.memref_slice %arg4[%dma_wait3A_47, %dma_wait3A, %dma_wait3A_48] : memref<32x1x1024xf32, #tpu.memory_space<vmem>> -> memref<32x1x1024xf32, #tpu.memory_space<vmem>>
    %dma_wait3A_50 = tpu.memref_squeeze %dma_wait3A_49 : memref<32x1x1024xf32, #tpu.memory_space<vmem>> -> memref<32x1024xf32, #tpu.memory_space<vmem>>
    %dma_wait3A_51 = arith.constant 0 : i32
    %dma_wait3A_52 = tpu.memref_slice %arg2[%add3A_4, %dma_wait3A_51] : memref<8192x1024xf32, #tpu.memory_space<hbm>> -> memref<32x1024xf32, #tpu.memory_space<hbm>>
    %dma_wait3A_53 = arith.constant 0 : i32
    %dma_wait3A_54 = arith.constant 0 : i32
    %dma_wait3A_55 = tpu.memref_slice %arg4[%dma_wait3A_53, %dma_wait3A, %dma_wait3A_54] : memref<32x1x1024xf32, #tpu.memory_space<vmem>> -> memref<32x1x1024xf32, #tpu.memory_space<vmem>>
    %dma_wait3A_56 = tpu.memref_squeeze %dma_wait3A_55 : memref<32x1x1024xf32, #tpu.memory_space<vmem>> -> memref<32x1024xf32, #tpu.memory_space<vmem>>
    %dma_wait3A_57 = arith.constant 0 : i32
    %dma_wait3A_58 = tpu.memref_slice %arg2[%add3A_4, %dma_wait3A_57] : memref<8192x1024xf32, #tpu.memory_space<hbm>> -> memref<32x1024xf32, #tpu.memory_space<hbm>>
    tpu.wait_dma2 semaphore(%arg7 : memref<!tpu.dma_semaphore, #tpu.memory_space<semaphore_mem>>) src(%dma_wait3A_58 : memref<32x1024xf32, #tpu.memory_space<hbm>>) dst(%dma_wait3A_56 : memref<32x1024xf32, #tpu.memory_space<vmem>>)
    %add3A_59 = arith.constant 0 : i32
    %add3A_60 = arith.addi %mul3A_2, %add3A_59 : i32
    %dma_start3A_61 = arith.constant 0 : i32
    %dma_start3A_62 = arith.constant 0 : i32
    %dma_start3A_63 = tpu.memref_slice %arg3[%add3A_60, %dma_start3A_61, %dma_start3A_62] : memref<8192x1x1024xf32, #tpu.memory_space<hbm>> -> memref<32x1x1024xf32, #tpu.memory_space<hbm>>
    %dma_start3A_64 = arith.constant 0 : i32
    %dma_start3A_65 = arith.constant 0 : i32
    %dma_start3A_66 = tpu.memref_slice %arg3[%add3A_60, %dma_start3A_64, %dma_start3A_65] : memref<8192x1x1024xf32, #tpu.memory_space<hbm>> -> memref<32x1x1024xf32, #tpu.memory_space<hbm>>
    tpu.enqueue_dma source(%arg4 : memref<32x1x1024xf32, #tpu.memory_space<vmem>>) target(%dma_start3A_66 : memref<32x1x1024xf32, #tpu.memory_space<hbm>>) target_semaphore(%arg10 : memref<!tpu.dma_semaphore, #tpu.memory_space<semaphore_mem>>)
    %dma_wait3A_67 = arith.constant 0 : i32
    %dma_wait3A_68 = arith.constant 0 : i32
    %dma_wait3A_69 = tpu.memref_slice %arg3[%add3A_60, %dma_wait3A_67, %dma_wait3A_68] : memref<8192x1x1024xf32, #tpu.memory_space<hbm>> -> memref<32x1x1024xf32, #tpu.memory_space<hbm>>
    %dma_wait3A_70 = arith.constant 0 : i32
    %dma_wait3A_71 = arith.constant 0 : i32
    %dma_wait3A_72 = tpu.memref_slice %arg3[%add3A_60, %dma_wait3A_70, %dma_wait3A_71] : memref<8192x1x1024xf32, #tpu.memory_space<hbm>> -> memref<32x1x1024xf32, #tpu.memory_space<hbm>>
    tpu.wait_dma2 semaphore(%arg10 : memref<!tpu.dma_semaphore, #tpu.memory_space<semaphore_mem>>) src(%arg4 : memref<32x1x1024xf32, #tpu.memory_space<vmem>>) dst(%dma_wait3A_72 : memref<32x1x1024xf32, #tpu.memory_space<hbm>>)
    %add3A_73 = arith.constant 96 : i32
    %add3A_74 = arith.addi %mul3A_2, %add3A_73 : i32
    %dma_start3A_75 = arith.constant 0 : i32
    %dma_start3A_76 = arith.constant 0 : i32
    %dma_start3A_77 = arith.constant 0 : i32
    %dma_start3A_78 = tpu.memref_slice %arg4[%dma_start3A_76, %dma_start3A_75, %dma_start3A_77] : memref<32x1x1024xf32, #tpu.memory_space<vmem>> -> memref<32x1x1024xf32, #tpu.memory_space<vmem>>
    %dma_start3A_79 = tpu.memref_squeeze %dma_start3A_78 : memref<32x1x1024xf32, #tpu.memory_space<vmem>> -> memref<32x1024xf32, #tpu.memory_space<vmem>>
    %dma_start3A_80 = arith.constant 0 : i32
    %dma_start3A_81 = tpu.memref_slice %arg2[%add3A_74, %dma_start3A_80] : memref<8192x1024xf32, #tpu.memory_space<hbm>> -> memref<32x1024xf32, #tpu.memory_space<hbm>>
    %dma_start3A_82 = arith.constant 0 : i32
    %dma_start3A_83 = arith.constant 0 : i32
    %dma_start3A_84 = tpu.memref_slice %arg4[%dma_start3A_82, %dma_start3A_75, %dma_start3A_83] : memref<32x1x1024xf32, #tpu.memory_space<vmem>> -> memref<32x1x1024xf32, #tpu.memory_space<vmem>>
    %dma_start3A_85 = tpu.memref_squeeze %dma_start3A_84 : memref<32x1x1024xf32, #tpu.memory_space<vmem>> -> memref<32x1024xf32, #tpu.memory_space<vmem>>
    %dma_start3A_86 = arith.constant 0 : i32
    %dma_start3A_87 = tpu.memref_slice %arg2[%add3A_74, %dma_start3A_86] : memref<8192x1024xf32, #tpu.memory_space<hbm>> -> memref<32x1024xf32, #tpu.memory_space<hbm>>
    tpu.enqueue_dma source(%dma_start3A_87 : memref<32x1024xf32, #tpu.memory_space<hbm>>) target(%dma_start3A_85 : memref<32x1024xf32, #tpu.memory_space<vmem>>) target_semaphore(%arg7 : memref<!tpu.dma_semaphore, #tpu.memory_space<semaphore_mem>>)
    %dma_wait3A_88 = arith.constant 0 : i32
    %dma_wait3A_89 = arith.constant 0 : i32
    %dma_wait3A_90 = arith.constant 0 : i32
    %dma_wait3A_91 = tpu.memref_slice %arg5[%dma_wait3A_89, %dma_wait3A_88, %dma_wait3A_90] : memref<32x1x1024xf32, #tpu.memory_space<vmem>> -> memref<32x1x1024xf32, #tpu.memory_space<vmem>>
    %dma_wait3A_92 = tpu.memref_squeeze %dma_wait3A_91 : memref<32x1x1024xf32, #tpu.memory_space<vmem>> -> memref<32x1024xf32, #tpu.memory_space<vmem>>
    %dma_wait3A_93 = arith.constant 0 : i32
    %dma_wait3A_94 = tpu.memref_slice %arg2[%add3A_18, %dma_wait3A_93] : memref<8192x1024xf32, #tpu.memory_space<hbm>> -> memref<32x1024xf32, #tpu.memory_space<hbm>>
    %dma_wait3A_95 = arith.constant 0 : i32
    %dma_wait3A_96 = arith.constant 0 : i32
    %dma_wait3A_97 = tpu.memref_slice %arg5[%dma_wait3A_95, %dma_wait3A_88, %dma_wait3A_96] : memref<32x1x1024xf32, #tpu.memory_space<vmem>> -> memref<32x1x1024xf32, #tpu.memory_space<vmem>>
    %dma_wait3A_98 = tpu.memref_squeeze %dma_wait3A_97 : memref<32x1x1024xf32, #tpu.memory_space<vmem>> -> memref<32x1024xf32, #tpu.memory_space<vmem>>
    %dma_wait3A_99 = arith.constant 0 : i32
    %dma_wait3A_100 = tpu.memref_slice %arg2[%add3A_18, %dma_wait3A_99] : memref<8192x1024xf32, #tpu.memory_space<hbm>> -> memref<32x1024xf32, #tpu.memory_space<hbm>>
    tpu.wait_dma2 semaphore(%arg8 : memref<!tpu.dma_semaphore, #tpu.memory_space<semaphore_mem>>) src(%dma_wait3A_100 : memref<32x1024xf32, #tpu.memory_space<hbm>>) dst(%dma_wait3A_98 : memref<32x1024xf32, #tpu.memory_space<vmem>>)
    %add3A_101 = arith.constant 32 : i32
    %add3A_102 = arith.addi %mul3A_2, %add3A_101 : i32
    %dma_start3A_103 = arith.constant 0 : i32
    %dma_start3A_104 = arith.constant 0 : i32
    %dma_start3A_105 = tpu.memref_slice %arg3[%add3A_102, %dma_start3A_103, %dma_start3A_104] : memref<8192x1x1024xf32, #tpu.memory_space<hbm>> -> memref<32x1x1024xf32, #tpu.memory_space<hbm>>
    %dma_start3A_106 = arith.constant 0 : i32
    %dma_start3A_107 = arith.constant 0 : i32
    %dma_start3A_108 = tpu.memref_slice %arg3[%add3A_102, %dma_start3A_106, %dma_start3A_107] : memref<8192x1x1024xf32, #tpu.memory_space<hbm>> -> memref<32x1x1024xf32, #tpu.memory_space<hbm>>
    tpu.enqueue_dma source(%arg5 : memref<32x1x1024xf32, #tpu.memory_space<vmem>>) target(%dma_start3A_108 : memref<32x1x1024xf32, #tpu.memory_space<hbm>>) target_semaphore(%arg11 : memref<!tpu.dma_semaphore, #tpu.memory_space<semaphore_mem>>)
    %dma_wait3A_109 = arith.constant 0 : i32
    %dma_wait3A_110 = arith.constant 0 : i32
    %dma_wait3A_111 = tpu.memref_slice %arg3[%add3A_102, %dma_wait3A_109, %dma_wait3A_110] : memref<8192x1x1024xf32, #tpu.memory_space<hbm>> -> memref<32x1x1024xf32, #tpu.memory_space<hbm>>
    %dma_wait3A_112 = arith.constant 0 : i32
    %dma_wait3A_113 = arith.constant 0 : i32
    %dma_wait3A_114 = tpu.memref_slice %arg3[%add3A_102, %dma_wait3A_112, %dma_wait3A_113] : memref<8192x1x1024xf32, #tpu.memory_space<hbm>> -> memref<32x1x1024xf32, #tpu.memory_space<hbm>>
    tpu.wait_dma2 semaphore(%arg11 : memref<!tpu.dma_semaphore, #tpu.memory_space<semaphore_mem>>) src(%arg5 : memref<32x1x1024xf32, #tpu.memory_space<vmem>>) dst(%dma_wait3A_114 : memref<32x1x1024xf32, #tpu.memory_space<hbm>>)
    %add3A_115 = arith.constant 128 : i32
    %add3A_116 = arith.addi %mul3A_2, %add3A_115 : i32
    %dma_start3A_117 = arith.constant 0 : i32
    %dma_start3A_118 = arith.constant 0 : i32
    %dma_start3A_119 = arith.constant 0 : i32
    %dma_start3A_120 = tpu.memref_slice %arg5[%dma_start3A_118, %dma_start3A_117, %dma_start3A_119] : memref<32x1x1024xf32, #tpu.memory_space<vmem>> -> memref<32x1x1024xf32, #tpu.memory_space<vmem>>
    %dma_start3A_121 = tpu.memref_squeeze %dma_start3A_120 : memref<32x1x1024xf32, #tpu.memory_space<vmem>> -> memref<32x1024xf32, #tpu.memory_space<vmem>>
    %dma_start3A_122 = arith.constant 0 : i32
    %dma_start3A_123 = tpu.memref_slice %arg2[%add3A_116, %dma_start3A_122] : memref<8192x1024xf32, #tpu.memory_space<hbm>> -> memref<32x1024xf32, #tpu.memory_space<hbm>>
    %dma_start3A_124 = arith.constant 0 : i32
    %dma_start3A_125 = arith.constant 0 : i32
    %dma_start3A_126 = tpu.memref_slice %arg5[%dma_start3A_124, %dma_start3A_117, %dma_start3A_125] : memref<32x1x1024xf32, #tpu.memory_space<vmem>> -> memref<32x1x1024xf32, #tpu.memory_space<vmem>>
    %dma_start3A_127 = tpu.memref_squeeze %dma_start3A_126 : memref<32x1x1024xf32, #tpu.memory_space<vmem>> -> memref<32x1024xf32, #tpu.memory_space<vmem>>
    %dma_start3A_128 = arith.constant 0 : i32
    %dma_start3A_129 = tpu.memref_slice %arg2[%add3A_116, %dma_start3A_128] : memref<8192x1024xf32, #tpu.memory_space<hbm>> -> memref<32x1024xf32, #tpu.memory_space<hbm>>
    tpu.enqueue_dma source(%dma_start3A_129 : memref<32x1024xf32, #tpu.memory_space<hbm>>) target(%dma_start3A_127 : memref<32x1024xf32, #tpu.memory_space<vmem>>) target_semaphore(%arg8 : memref<!tpu.dma_semaphore, #tpu.memory_space<semaphore_mem>>)
    %dma_wait3A_130 = arith.constant 0 : i32
    %dma_wait3A_131 = arith.constant 0 : i32
    %dma_wait3A_132 = arith.constant 0 : i32
    %dma_wait3A_133 = tpu.memref_slice %arg6[%dma_wait3A_131, %dma_wait3A_130, %dma_wait3A_132] : memref<32x1x1024xf32, #tpu.memory_space<vmem>> -> memref<32x1x1024xf32, #tpu.memory_space<vmem>>
    %dma_wait3A_134 = tpu.memref_squeeze %dma_wait3A_133 : memref<32x1x1024xf32, #tpu.memory_space<vmem>> -> memref<32x1024xf32, #tpu.memory_space<vmem>>
    %dma_wait3A_135 = arith.constant 0 : i32
    %dma_wait3A_136 = tpu.memref_slice %arg2[%add3A_33, %dma_wait3A_135] : memref<8192x1024xf32, #tpu.memory_space<hbm>> -> memref<32x1024xf32, #tpu.memory_space<hbm>>
    %dma_wait3A_137 = arith.constant 0 : i32
    %dma_wait3A_138 = arith.constant 0 : i32
    %dma_wait3A_139 = tpu.memref_slice %arg6[%dma_wait3A_137, %dma_wait3A_130, %dma_wait3A_138] : memref<32x1x1024xf32, #tpu.memory_space<vmem>> -> memref<32x1x1024xf32, #tpu.memory_space<vmem>>
    %dma_wait3A_140 = tpu.memref_squeeze %dma_wait3A_139 : memref<32x1x1024xf32, #tpu.memory_space<vmem>> -> memref<32x1024xf32, #tpu.memory_space<vmem>>
    %dma_wait3A_141 = arith.constant 0 : i32
    %dma_wait3A_142 = tpu.memref_slice %arg2[%add3A_33, %dma_wait3A_141] : memref<8192x1024xf32, #tpu.memory_space<hbm>> -> memref<32x1024xf32, #tpu.memory_space<hbm>>
    tpu.wait_dma2 semaphore(%arg9 : memref<!tpu.dma_semaphore, #tpu.memory_space<semaphore_mem>>) src(%dma_wait3A_142 : memref<32x1024xf32, #tpu.memory_space<hbm>>) dst(%dma_wait3A_140 : memref<32x1024xf32, #tpu.memory_space<vmem>>)
    %add3A_143 = arith.constant 64 : i32
    %add3A_144 = arith.addi %mul3A_2, %add3A_143 : i32
    %dma_start3A_145 = arith.constant 0 : i32
    %dma_start3A_146 = arith.constant 0 : i32
    %dma_start3A_147 = tpu.memref_slice %arg3[%add3A_144, %dma_start3A_145, %dma_start3A_146] : memref<8192x1x1024xf32, #tpu.memory_space<hbm>> -> memref<32x1x1024xf32, #tpu.memory_space<hbm>>
    %dma_start3A_148 = arith.constant 0 : i32
    %dma_start3A_149 = arith.constant 0 : i32
    %dma_start3A_150 = tpu.memref_slice %arg3[%add3A_144, %dma_start3A_148, %dma_start3A_149] : memref<8192x1x1024xf32, #tpu.memory_space<hbm>> -> memref<32x1x1024xf32, #tpu.memory_space<hbm>>
    tpu.enqueue_dma source(%arg6 : memref<32x1x1024xf32, #tpu.memory_space<vmem>>) target(%dma_start3A_150 : memref<32x1x1024xf32, #tpu.memory_space<hbm>>) target_semaphore(%arg12 : memref<!tpu.dma_semaphore, #tpu.memory_space<semaphore_mem>>)
    %dma_wait3A_151 = arith.constant 0 : i32
    %dma_wait3A_152 = arith.constant 0 : i32
    %dma_wait3A_153 = tpu.memref_slice %arg3[%add3A_144, %dma_wait3A_151, %dma_wait3A_152] : memref<8192x1x1024xf32, #tpu.memory_space<hbm>> -> memref<32x1x1024xf32, #tpu.memory_space<hbm>>
    %dma_wait3A_154 = arith.constant 0 : i32
    %dma_wait3A_155 = arith.constant 0 : i32
    %dma_wait3A_156 = tpu.memref_slice %arg3[%add3A_144, %dma_wait3A_154, %dma_wait3A_155] : memref<8192x1x1024xf32, #tpu.memory_space<hbm>> -> memref<32x1x1024xf32, #tpu.memory_space<hbm>>
    tpu.wait_dma2 semaphore(%arg12 : memref<!tpu.dma_semaphore, #tpu.memory_space<semaphore_mem>>) src(%arg6 : memref<32x1x1024xf32, #tpu.memory_space<vmem>>) dst(%dma_wait3A_156 : memref<32x1x1024xf32, #tpu.memory_space<hbm>>)
    %add3A_157 = arith.constant 160 : i32
    %add3A_158 = arith.addi %mul3A_2, %add3A_157 : i32
    %dma_start3A_159 = arith.constant 0 : i32
    %dma_start3A_160 = arith.constant 0 : i32
    %dma_start3A_161 = arith.constant 0 : i32
    %dma_start3A_162 = tpu.memref_slice %arg6[%dma_start3A_160, %dma_start3A_159, %dma_start3A_161] : memref<32x1x1024xf32, #tpu.memory_space<vmem>> -> memref<32x1x1024xf32, #tpu.memory_space<vmem>>
    %dma_start3A_163 = tpu.memref_squeeze %dma_start3A_162 : memref<32x1x1024xf32, #tpu.memory_space<vmem>> -> memref<32x1024xf32, #tpu.memory_space<vmem>>
    %dma_start3A_164 = arith.constant 0 : i32
    %dma_start3A_165 = tpu.memref_slice %arg2[%add3A_158, %dma_start3A_164] : memref<8192x1024xf32, #tpu.memory_space<hbm>> -> memref<32x1024xf32, #tpu.memory_space<hbm>>
    %dma_start3A_166 = arith.constant 0 : i32
    %dma_start3A_167 = arith.constant 0 : i32
    %dma_start3A_168 = tpu.memref_slice %arg6[%dma_start3A_166, %dma_start3A_159, %dma_start3A_167] : memref<32x1x1024xf32, #tpu.memory_space<vmem>> -> memref<32x1x1024xf32, #tpu.memory_space<vmem>>
    %dma_start3A_169 = tpu.memref_squeeze %dma_start3A_168 : memref<32x1x1024xf32, #tpu.memory_space<vmem>> -> memref<32x1024xf32, #tpu.memory_space<vmem>>
    %dma_start3A_170 = arith.constant 0 : i32
    %dma_start3A_171 = tpu.memref_slice %arg2[%add3A_158, %dma_start3A_170] : memref<8192x1024xf32, #tpu.memory_space<hbm>> -> memref<32x1024xf32, #tpu.memory_space<hbm>>
    tpu.enqueue_dma source(%dma_start3A_171 : memref<32x1024xf32, #tpu.memory_space<hbm>>) target(%dma_start3A_169 : memref<32x1024xf32, #tpu.memory_space<vmem>>) target_semaphore(%arg9 : memref<!tpu.dma_semaphore, #tpu.memory_space<semaphore_mem>>)
    %dma_wait3A_172 = arith.constant 0 : i32
    %dma_wait3A_173 = arith.constant 0 : i32
    %dma_wait3A_174 = arith.constant 0 : i32
    %dma_wait3A_175 = tpu.memref_slice %arg4[%dma_wait3A_173, %dma_wait3A_172, %dma_wait3A_174] : memref<32x1x1024xf32, #tpu.memory_space<vmem>> -> memref<32x1x1024xf32, #tpu.memory_space<vmem>>
    %dma_wait3A_176 = tpu.memref_squeeze %dma_wait3A_175 : memref<32x1x1024xf32, #tpu.memory_space<vmem>> -> memref<32x1024xf32, #tpu.memory_space<vmem>>
    %dma_wait3A_177 = arith.constant 0 : i32
    %dma_wait3A_178 = tpu.memref_slice %arg2[%add3A_74, %dma_wait3A_177] : memref<8192x1024xf32, #tpu.memory_space<hbm>> -> memref<32x1024xf32, #tpu.memory_space<hbm>>
    %dma_wait3A_179 = arith.constant 0 : i32
    %dma_wait3A_180 = arith.constant 0 : i32
    %dma_wait3A_181 = tpu.memref_slice %arg4[%dma_wait3A_179, %dma_wait3A_172, %dma_wait3A_180] : memref<32x1x1024xf32, #tpu.memory_space<vmem>> -> memref<32x1x1024xf32, #tpu.memory_space<vmem>>
    %dma_wait3A_182 = tpu.memref_squeeze %dma_wait3A_181 : memref<32x1x1024xf32, #tpu.memory_space<vmem>> -> memref<32x1024xf32, #tpu.memory_space<vmem>>
    %dma_wait3A_183 = arith.constant 0 : i32
    %dma_wait3A_184 = tpu.memref_slice %arg2[%add3A_74, %dma_wait3A_183] : memref<8192x1024xf32, #tpu.memory_space<hbm>> -> memref<32x1024xf32, #tpu.memory_space<hbm>>
    tpu.wait_dma2 semaphore(%arg7 : memref<!tpu.dma_semaphore, #tpu.memory_space<semaphore_mem>>) src(%dma_wait3A_184 : memref<32x1024xf32, #tpu.memory_space<hbm>>) dst(%dma_wait3A_182 : memref<32x1024xf32, #tpu.memory_space<vmem>>)
    %add3A_185 = arith.constant 96 : i32
    %add3A_186 = arith.addi %mul3A_2, %add3A_185 : i32
    %dma_start3A_187 = arith.constant 0 : i32
    %dma_start3A_188 = arith.constant 0 : i32
    %dma_start3A_189 = tpu.memref_slice %arg3[%add3A_186, %dma_start3A_187, %dma_start3A_188] : memref<8192x1x1024xf32, #tpu.memory_space<hbm>> -> memref<32x1x1024xf32, #tpu.memory_space<hbm>>
    %dma_start3A_190 = arith.constant 0 : i32
    %dma_start3A_191 = arith.constant 0 : i32
    %dma_start3A_192 = tpu.memref_slice %arg3[%add3A_186, %dma_start3A_190, %dma_start3A_191] : memref<8192x1x1024xf32, #tpu.memory_space<hbm>> -> memref<32x1x1024xf32, #tpu.memory_space<hbm>>
    tpu.enqueue_dma source(%arg4 : memref<32x1x1024xf32, #tpu.memory_space<vmem>>) target(%dma_start3A_192 : memref<32x1x1024xf32, #tpu.memory_space<hbm>>) target_semaphore(%arg10 : memref<!tpu.dma_semaphore, #tpu.memory_space<semaphore_mem>>)
    %dma_wait3A_193 = arith.constant 0 : i32
    %dma_wait3A_194 = arith.constant 0 : i32
    %dma_wait3A_195 = tpu.memref_slice %arg3[%add3A_186, %dma_wait3A_193, %dma_wait3A_194] : memref<8192x1x1024xf32, #tpu.memory_space<hbm>> -> memref<32x1x1024xf32, #tpu.memory_space<hbm>>
    %dma_wait3A_196 = arith.constant 0 : i32
    %dma_wait3A_197 = arith.constant 0 : i32
    %dma_wait3A_198 = tpu.memref_slice %arg3[%add3A_186, %dma_wait3A_196, %dma_wait3A_197] : memref<8192x1x1024xf32, #tpu.memory_space<hbm>> -> memref<32x1x1024xf32, #tpu.memory_space<hbm>>
    tpu.wait_dma2 semaphore(%arg10 : memref<!tpu.dma_semaphore, #tpu.memory_space<semaphore_mem>>) src(%arg4 : memref<32x1x1024xf32, #tpu.memory_space<vmem>>) dst(%dma_wait3A_198 : memref<32x1x1024xf32, #tpu.memory_space<hbm>>)
    %add3A_199 = arith.constant 192 : i32
    %add3A_200 = arith.addi %mul3A_2, %add3A_199 : i32
    %dma_start3A_201 = arith.constant 0 : i32
    %dma_start3A_202 = arith.constant 0 : i32
    %dma_start3A_203 = arith.constant 0 : i32
    %dma_start3A_204 = tpu.memref_slice %arg4[%dma_start3A_202, %dma_start3A_201, %dma_start3A_203] : memref<32x1x1024xf32, #tpu.memory_space<vmem>> -> memref<32x1x1024xf32, #tpu.memory_space<vmem>>
    %dma_start3A_205 = tpu.memref_squeeze %dma_start3A_204 : memref<32x1x1024xf32, #tpu.memory_space<vmem>> -> memref<32x1024xf32, #tpu.memory_space<vmem>>
    %dma_start3A_206 = arith.constant 0 : i32
    %dma_start3A_207 = tpu.memref_slice %arg2[%add3A_200, %dma_start3A_206] : memref<8192x1024xf32, #tpu.memory_space<hbm>> -> memref<32x1024xf32, #tpu.memory_space<hbm>>
    %dma_start3A_208 = arith.constant 0 : i32
    %dma_start3A_209 = arith.constant 0 : i32
    %dma_start3A_210 = tpu.memref_slice %arg4[%dma_start3A_208, %dma_start3A_201, %dma_start3A_209] : memref<32x1x1024xf32, #tpu.memory_space<vmem>> -> memref<32x1x1024xf32, #tpu.memory_space<vmem>>
    %dma_start3A_211 = tpu.memref_squeeze %dma_start3A_210 : memref<32x1x1024xf32, #tpu.memory_space<vmem>> -> memref<32x1024xf32, #tpu.memory_space<vmem>>
    %dma_start3A_212 = arith.constant 0 : i32
    %dma_start3A_213 = tpu.memref_slice %arg2[%add3A_200, %dma_start3A_212] : memref<8192x1024xf32, #tpu.memory_space<hbm>> -> memref<32x1024xf32, #tpu.memory_space<hbm>>
    tpu.enqueue_dma source(%dma_start3A_213 : memref<32x1024xf32, #tpu.memory_space<hbm>>) target(%dma_start3A_211 : memref<32x1024xf32, #tpu.memory_space<vmem>>) target_semaphore(%arg7 : memref<!tpu.dma_semaphore, #tpu.memory_space<semaphore_mem>>)
    %dma_wait3A_214 = arith.constant 0 : i32
    %dma_wait3A_215 = arith.constant 0 : i32
    %dma_wait3A_216 = arith.constant 0 : i32
    %dma_wait3A_217 = tpu.memref_slice %arg5[%dma_wait3A_215, %dma_wait3A_214, %dma_wait3A_216] : memref<32x1x1024xf32, #tpu.memory_space<vmem>> -> memref<32x1x1024xf32, #tpu.memory_space<vmem>>
    %dma_wait3A_218 = tpu.memref_squeeze %dma_wait3A_217 : memref<32x1x1024xf32, #tpu.memory_space<vmem>> -> memref<32x1024xf32, #tpu.memory_space<vmem>>
    %dma_wait3A_219 = arith.constant 0 : i32
    %dma_wait3A_220 = tpu.memref_slice %arg2[%add3A_116, %dma_wait3A_219] : memref<8192x1024xf32, #tpu.memory_space<hbm>> -> memref<32x1024xf32, #tpu.memory_space<hbm>>
    %dma_wait3A_221 = arith.constant 0 : i32
    %dma_wait3A_222 = arith.constant 0 : i32
    %dma_wait3A_223 = tpu.memref_slice %arg5[%dma_wait3A_221, %dma_wait3A_214, %dma_wait3A_222] : memref<32x1x1024xf32, #tpu.memory_space<vmem>> -> memref<32x1x1024xf32, #tpu.memory_space<vmem>>
    %dma_wait3A_224 = tpu.memref_squeeze %dma_wait3A_223 : memref<32x1x1024xf32, #tpu.memory_space<vmem>> -> memref<32x1024xf32, #tpu.memory_space<vmem>>
    %dma_wait3A_225 = arith.constant 0 : i32
    %dma_wait3A_226 = tpu.memref_slice %arg2[%add3A_116, %dma_wait3A_225] : memref<8192x1024xf32, #tpu.memory_space<hbm>> -> memref<32x1024xf32, #tpu.memory_space<hbm>>
    tpu.wait_dma2 semaphore(%arg8 : memref<!tpu.dma_semaphore, #tpu.memory_space<semaphore_mem>>) src(%dma_wait3A_226 : memref<32x1024xf32, #tpu.memory_space<hbm>>) dst(%dma_wait3A_224 : memref<32x1024xf32, #tpu.memory_space<vmem>>)
    %add3A_227 = arith.constant 128 : i32
    %add3A_228 = arith.addi %mul3A_2, %add3A_227 : i32
    %dma_start3A_229 = arith.constant 0 : i32
    %dma_start3A_230 = arith.constant 0 : i32
    %dma_start3A_231 = tpu.memref_slice %arg3[%add3A_228, %dma_start3A_229, %dma_start3A_230] : memref<8192x1x1024xf32, #tpu.memory_space<hbm>> -> memref<32x1x1024xf32, #tpu.memory_space<hbm>>
    %dma_start3A_232 = arith.constant 0 : i32
    %dma_start3A_233 = arith.constant 0 : i32
    %dma_start3A_234 = tpu.memref_slice %arg3[%add3A_228, %dma_start3A_232, %dma_start3A_233] : memref<8192x1x1024xf32, #tpu.memory_space<hbm>> -> memref<32x1x1024xf32, #tpu.memory_space<hbm>>
    tpu.enqueue_dma source(%arg5 : memref<32x1x1024xf32, #tpu.memory_space<vmem>>) target(%dma_start3A_234 : memref<32x1x1024xf32, #tpu.memory_space<hbm>>) target_semaphore(%arg11 : memref<!tpu.dma_semaphore, #tpu.memory_space<semaphore_mem>>)
    %dma_wait3A_235 = arith.constant 0 : i32
    %dma_wait3A_236 = arith.constant 0 : i32
    %dma_wait3A_237 = tpu.memref_slice %arg3[%add3A_228, %dma_wait3A_235, %dma_wait3A_236] : memref<8192x1x1024xf32, #tpu.memory_space<hbm>> -> memref<32x1x1024xf32, #tpu.memory_space<hbm>>
    %dma_wait3A_238 = arith.constant 0 : i32
    %dma_wait3A_239 = arith.constant 0 : i32
    %dma_wait3A_240 = tpu.memref_slice %arg3[%add3A_228, %dma_wait3A_238, %dma_wait3A_239] : memref<8192x1x1024xf32, #tpu.memory_space<hbm>> -> memref<32x1x1024xf32, #tpu.memory_space<hbm>>
    tpu.wait_dma2 semaphore(%arg11 : memref<!tpu.dma_semaphore, #tpu.memory_space<semaphore_mem>>) src(%arg5 : memref<32x1x1024xf32, #tpu.memory_space<vmem>>) dst(%dma_wait3A_240 : memref<32x1x1024xf32, #tpu.memory_space<hbm>>)
    %add3A_241 = arith.constant 224 : i32
    %add3A_242 = arith.addi %mul3A_2, %add3A_241 : i32
    %dma_start3A_243 = arith.constant 0 : i32
    %dma_start3A_244 = arith.constant 0 : i32
    %dma_start3A_245 = arith.constant 0 : i32
    %dma_start3A_246 = tpu.memref_slice %arg5[%dma_start3A_244, %dma_start3A_243, %dma_start3A_245] : memref<32x1x1024xf32, #tpu.memory_space<vmem>> -> memref<32x1x1024xf32, #tpu.memory_space<vmem>>
    %dma_start3A_247 = tpu.memref_squeeze %dma_start3A_246 : memref<32x1x1024xf32, #tpu.memory_space<vmem>> -> memref<32x1024xf32, #tpu.memory_space<vmem>>
    %dma_start3A_248 = arith.constant 0 : i32
    %dma_start3A_249 = tpu.memref_slice %arg2[%add3A_242, %dma_start3A_248] : memref<8192x1024xf32, #tpu.memory_space<hbm>> -> memref<32x1024xf32, #tpu.memory_space<hbm>>
    %dma_start3A_250 = arith.constant 0 : i32
    %dma_start3A_251 = arith.constant 0 : i32
    %dma_start3A_252 = tpu.memref_slice %arg5[%dma_start3A_250, %dma_start3A_243, %dma_start3A_251] : memref<32x1x1024xf32, #tpu.memory_space<vmem>> -> memref<32x1x1024xf32, #tpu.memory_space<vmem>>
    %dma_start3A_253 = tpu.memref_squeeze %dma_start3A_252 : memref<32x1x1024xf32, #tpu.memory_space<vmem>> -> memref<32x1024xf32, #tpu.memory_space<vmem>>
    %dma_start3A_254 = arith.constant 0 : i32
    %dma_start3A_255 = tpu.memref_slice %arg2[%add3A_242, %dma_start3A_254] : memref<8192x1024xf32, #tpu.memory_space<hbm>> -> memref<32x1024xf32, #tpu.memory_space<hbm>>
    tpu.enqueue_dma source(%dma_start3A_255 : memref<32x1024xf32, #tpu.memory_space<hbm>>) target(%dma_start3A_253 : memref<32x1024xf32, #tpu.memory_space<vmem>>) target_semaphore(%arg8 : memref<!tpu.dma_semaphore, #tpu.memory_space<semaphore_mem>>)
    %dma_wait3A_256 = arith.constant 0 : i32
    %dma_wait3A_257 = arith.constant 0 : i32
    %dma_wait3A_258 = arith.constant 0 : i32
    %dma_wait3A_259 = tpu.memref_slice %arg6[%dma_wait3A_257, %dma_wait3A_256, %dma_wait3A_258] : memref<32x1x1024xf32, #tpu.memory_space<vmem>> -> memref<32x1x1024xf32, #tpu.memory_space<vmem>>
    %dma_wait3A_260 = tpu.memref_squeeze %dma_wait3A_259 : memref<32x1x1024xf32, #tpu.memory_space<vmem>> -> memref<32x1024xf32, #tpu.memory_space<vmem>>
    %dma_wait3A_261 = arith.constant 0 : i32
    %dma_wait3A_262 = tpu.memref_slice %arg2[%add3A_158, %dma_wait3A_261] : memref<8192x1024xf32, #tpu.memory_space<hbm>> -> memref<32x1024xf32, #tpu.memory_space<hbm>>
    %dma_wait3A_263 = arith.constant 0 : i32
    %dma_wait3A_264 = arith.constant 0 : i32
    %dma_wait3A_265 = tpu.memref_slice %arg6[%dma_wait3A_263, %dma_wait3A_256, %dma_wait3A_264] : memref<32x1x1024xf32, #tpu.memory_space<vmem>> -> memref<32x1x1024xf32, #tpu.memory_space<vmem>>
    %dma_wait3A_266 = tpu.memref_squeeze %dma_wait3A_265 : memref<32x1x1024xf32, #tpu.memory_space<vmem>> -> memref<32x1024xf32, #tpu.memory_space<vmem>>
    %dma_wait3A_267 = arith.constant 0 : i32
    %dma_wait3A_268 = tpu.memref_slice %arg2[%add3A_158, %dma_wait3A_267] : memref<8192x1024xf32, #tpu.memory_space<hbm>> -> memref<32x1024xf32, #tpu.memory_space<hbm>>
    tpu.wait_dma2 semaphore(%arg9 : memref<!tpu.dma_semaphore, #tpu.memory_space<semaphore_mem>>) src(%dma_wait3A_268 : memref<32x1024xf32, #tpu.memory_space<hbm>>) dst(%dma_wait3A_266 : memref<32x1024xf32, #tpu.memory_space<vmem>>)
    %add3A_269 = arith.constant 160 : i32
    %add3A_270 = arith.addi %mul3A_2, %add3A_269 : i32
    %dma_start3A_271 = arith.constant 0 : i32
    %dma_start3A_272 = arith.constant 0 : i32
    %dma_start3A_273 = tpu.memref_slice %arg3[%add3A_270, %dma_start3A_271, %dma_start3A_272] : memref<8192x1x1024xf32, #tpu.memory_space<hbm>> -> memref<32x1x1024xf32, #tpu.memory_space<hbm>>
    %dma_start3A_274 = arith.constant 0 : i32
    %dma_start3A_275 = arith.constant 0 : i32
    %dma_start3A_276 = tpu.memref_slice %arg3[%add3A_270, %dma_start3A_274, %dma_start3A_275] : memref<8192x1x1024xf32, #tpu.memory_space<hbm>> -> memref<32x1x1024xf32, #tpu.memory_space<hbm>>
    tpu.enqueue_dma source(%arg6 : memref<32x1x1024xf32, #tpu.memory_space<vmem>>) target(%dma_start3A_276 : memref<32x1x1024xf32, #tpu.memory_space<hbm>>) target_semaphore(%arg12 : memref<!tpu.dma_semaphore, #tpu.memory_space<semaphore_mem>>)
    %dma_wait3A_277 = arith.constant 0 : i32
    %dma_wait3A_278 = arith.constant 0 : i32
    %dma_wait3A_279 = arith.constant 0 : i32
    %dma_wait3A_280 = tpu.memref_slice %arg4[%dma_wait3A_278, %dma_wait3A_277, %dma_wait3A_279] : memref<32x1x1024xf32, #tpu.memory_space<vmem>> -> memref<32x1x1024xf32, #tpu.memory_space<vmem>>
    %dma_wait3A_281 = tpu.memref_squeeze %dma_wait3A_280 : memref<32x1x1024xf32, #tpu.memory_space<vmem>> -> memref<32x1024xf32, #tpu.memory_space<vmem>>
    %dma_wait3A_282 = arith.constant 0 : i32
    %dma_wait3A_283 = tpu.memref_slice %arg2[%add3A_200, %dma_wait3A_282] : memref<8192x1024xf32, #tpu.memory_space<hbm>> -> memref<32x1024xf32, #tpu.memory_space<hbm>>
    %dma_wait3A_284 = arith.constant 0 : i32
    %dma_wait3A_285 = arith.constant 0 : i32
    %dma_wait3A_286 = tpu.memref_slice %arg4[%dma_wait3A_284, %dma_wait3A_277, %dma_wait3A_285] : memref<32x1x1024xf32, #tpu.memory_space<vmem>> -> memref<32x1x1024xf32, #tpu.memory_space<vmem>>
    %dma_wait3A_287 = tpu.memref_squeeze %dma_wait3A_286 : memref<32x1x1024xf32, #tpu.memory_space<vmem>> -> memref<32x1024xf32, #tpu.memory_space<vmem>>
    %dma_wait3A_288 = arith.constant 0 : i32
    %dma_wait3A_289 = tpu.memref_slice %arg2[%add3A_200, %dma_wait3A_288] : memref<8192x1024xf32, #tpu.memory_space<hbm>> -> memref<32x1024xf32, #tpu.memory_space<hbm>>
    tpu.wait_dma2 semaphore(%arg7 : memref<!tpu.dma_semaphore, #tpu.memory_space<semaphore_mem>>) src(%dma_wait3A_289 : memref<32x1024xf32, #tpu.memory_space<hbm>>) dst(%dma_wait3A_287 : memref<32x1024xf32, #tpu.memory_space<vmem>>)
    %add3A_290 = arith.constant 192 : i32
    %add3A_291 = arith.addi %mul3A_2, %add3A_290 : i32
    %dma_start3A_292 = arith.constant 0 : i32
    %dma_start3A_293 = arith.constant 0 : i32
    %dma_start3A_294 = tpu.memref_slice %arg3[%add3A_291, %dma_start3A_292, %dma_start3A_293] : memref<8192x1x1024xf32, #tpu.memory_space<hbm>> -> memref<32x1x1024xf32, #tpu.memory_space<hbm>>
    %dma_start3A_295 = arith.constant 0 : i32
    %dma_start3A_296 = arith.constant 0 : i32
    %dma_start3A_297 = tpu.memref_slice %arg3[%add3A_291, %dma_start3A_295, %dma_start3A_296] : memref<8192x1x1024xf32, #tpu.memory_space<hbm>> -> memref<32x1x1024xf32, #tpu.memory_space<hbm>>
    tpu.enqueue_dma source(%arg4 : memref<32x1x1024xf32, #tpu.memory_space<vmem>>) target(%dma_start3A_297 : memref<32x1x1024xf32, #tpu.memory_space<hbm>>) target_semaphore(%arg10 : memref<!tpu.dma_semaphore, #tpu.memory_space<semaphore_mem>>)
    %dma_wait3A_298 = arith.constant 0 : i32
    %dma_wait3A_299 = arith.constant 0 : i32
    %dma_wait3A_300 = arith.constant 0 : i32
    %dma_wait3A_301 = tpu.memref_slice %arg5[%dma_wait3A_299, %dma_wait3A_298, %dma_wait3A_300] : memref<32x1x1024xf32, #tpu.memory_space<vmem>> -> memref<32x1x1024xf32, #tpu.memory_space<vmem>>
    %dma_wait3A_302 = tpu.memref_squeeze %dma_wait3A_301 : memref<32x1x1024xf32, #tpu.memory_space<vmem>> -> memref<32x1024xf32, #tpu.memory_space<vmem>>
    %dma_wait3A_303 = arith.constant 0 : i32
    %dma_wait3A_304 = tpu.memref_slice %arg2[%add3A_242, %dma_wait3A_303] : memref<8192x1024xf32, #tpu.memory_space<hbm>> -> memref<32x1024xf32, #tpu.memory_space<hbm>>
    %dma_wait3A_305 = arith.constant 0 : i32
    %dma_wait3A_306 = arith.constant 0 : i32
    %dma_wait3A_307 = tpu.memref_slice %arg5[%dma_wait3A_305, %dma_wait3A_298, %dma_wait3A_306] : memref<32x1x1024xf32, #tpu.memory_space<vmem>> -> memref<32x1x1024xf32, #tpu.memory_space<vmem>>
    %dma_wait3A_308 = tpu.memref_squeeze %dma_wait3A_307 : memref<32x1x1024xf32, #tpu.memory_space<vmem>> -> memref<32x1024xf32, #tpu.memory_space<vmem>>
    %dma_wait3A_309 = arith.constant 0 : i32
    %dma_wait3A_310 = tpu.memref_slice %arg2[%add3A_242, %dma_wait3A_309] : memref<8192x1024xf32, #tpu.memory_space<hbm>> -> memref<32x1024xf32, #tpu.memory_space<hbm>>
    tpu.wait_dma2 semaphore(%arg8 : memref<!tpu.dma_semaphore, #tpu.memory_space<semaphore_mem>>) src(%dma_wait3A_310 : memref<32x1024xf32, #tpu.memory_space<hbm>>) dst(%dma_wait3A_308 : memref<32x1024xf32, #tpu.memory_space<vmem>>)
    %add3A_311 = arith.constant 224 : i32
    %add3A_312 = arith.addi %mul3A_2, %add3A_311 : i32
    %dma_start3A_313 = arith.constant 0 : i32
    %dma_start3A_314 = arith.constant 0 : i32
    %dma_start3A_315 = tpu.memref_slice %arg3[%add3A_312, %dma_start3A_313, %dma_start3A_314] : memref<8192x1x1024xf32, #tpu.memory_space<hbm>> -> memref<32x1x1024xf32, #tpu.memory_space<hbm>>
    %dma_start3A_316 = arith.constant 0 : i32
    %dma_start3A_317 = arith.constant 0 : i32
    %dma_start3A_318 = tpu.memref_slice %arg3[%add3A_312, %dma_start3A_316, %dma_start3A_317] : memref<8192x1x1024xf32, #tpu.memory_space<hbm>> -> memref<32x1x1024xf32, #tpu.memory_space<hbm>>
    tpu.enqueue_dma source(%arg5 : memref<32x1x1024xf32, #tpu.memory_space<vmem>>) target(%dma_start3A_318 : memref<32x1x1024xf32, #tpu.memory_space<hbm>>) target_semaphore(%arg11 : memref<!tpu.dma_semaphore, #tpu.memory_space<semaphore_mem>>)
    %dma_wait3A_319 = arith.constant 0 : i32
    %dma_wait3A_320 = arith.constant 0 : i32
    %dma_wait3A_321 = tpu.memref_slice %arg3[%add3A_270, %dma_wait3A_319, %dma_wait3A_320] : memref<8192x1x1024xf32, #tpu.memory_space<hbm>> -> memref<32x1x1024xf32, #tpu.memory_space<hbm>>
    %dma_wait3A_322 = arith.constant 0 : i32
    %dma_wait3A_323 = arith.constant 0 : i32
    %dma_wait3A_324 = tpu.memref_slice %arg3[%add3A_270, %dma_wait3A_322, %dma_wait3A_323] : memref<8192x1x1024xf32, #tpu.memory_space<hbm>> -> memref<32x1x1024xf32, #tpu.memory_space<hbm>>
    tpu.wait_dma2 semaphore(%arg12 : memref<!tpu.dma_semaphore, #tpu.memory_space<semaphore_mem>>) src(%arg6 : memref<32x1x1024xf32, #tpu.memory_space<vmem>>) dst(%dma_wait3A_324 : memref<32x1x1024xf32, #tpu.memory_space<hbm>>)
    %dma_wait3A_325 = arith.constant 0 : i32
    %dma_wait3A_326 = arith.constant 0 : i32
    %dma_wait3A_327 = tpu.memref_slice %arg3[%add3A_291, %dma_wait3A_325, %dma_wait3A_326] : memref<8192x1x1024xf32, #tpu.memory_space<hbm>> -> memref<32x1x1024xf32, #tpu.memory_space<hbm>>
    %dma_wait3A_328 = arith.constant 0 : i32
    %dma_wait3A_329 = arith.constant 0 : i32
    %dma_wait3A_330 = tpu.memref_slice %arg3[%add3A_291, %dma_wait3A_328, %dma_wait3A_329] : memref<8192x1x1024xf32, #tpu.memory_space<hbm>> -> memref<32x1x1024xf32, #tpu.memory_space<hbm>>
    tpu.wait_dma2 semaphore(%arg10 : memref<!tpu.dma_semaphore, #tpu.memory_space<semaphore_mem>>) src(%arg4 : memref<32x1x1024xf32, #tpu.memory_space<vmem>>) dst(%dma_wait3A_330 : memref<32x1x1024xf32, #tpu.memory_space<hbm>>)
    %dma_wait3A_331 = arith.constant 0 : i32
    %dma_wait3A_332 = arith.constant 0 : i32
    %dma_wait3A_333 = tpu.memref_slice %arg3[%add3A_312, %dma_wait3A_331, %dma_wait3A_332] : memref<8192x1x1024xf32, #tpu.memory_space<hbm>> -> memref<32x1x1024xf32, #tpu.memory_space<hbm>>
    %dma_wait3A_334 = arith.constant 0 : i32
    %dma_wait3A_335 = arith.constant 0 : i32
    %dma_wait3A_336 = tpu.memref_slice %arg3[%add3A_312, %dma_wait3A_334, %dma_wait3A_335] : memref<8192x1x1024xf32, #tpu.memory_space<hbm>> -> memref<32x1x1024xf32, #tpu.memory_space<hbm>>
    tpu.wait_dma2 semaphore(%arg11 : memref<!tpu.dma_semaphore, #tpu.memory_space<semaphore_mem>>) src(%arg5 : memref<32x1x1024xf32, #tpu.memory_space<vmem>>) dst(%dma_wait3A_336 : memref<32x1x1024xf32, #tpu.memory_space<hbm>>)
    return
  }
}

</mosaic_0001>

<sc_bundles>
// kernel: kernel.3.cloned.1.call-start
scs
__scs_entry_jumppad:
0x0: {  	(pc) =	sbr.rel $0x88, $3  }
0x1: {  	(tag) =	ssettag $0x0;
	lr =	simm.s32 $0x1  }
0x2: {  	[smem:$0x3FA0] =	sst lr;
	_ =	strace $0xD0000000  }
0x3: {  	_ = 	snop  }
0x4: {  	_ = 	snop  }
0x5: {  	_ = 	snop  }
0x6: {  	_ = 	snop  }
0x7: {  	_ = 	snop  }
__scs_overlays_trampoline_lowered:
0x8: {  	[smem:$0x3FAF] =	sst s0  }
0x9: {  	[smem:$0x3FB0] =	sst s1  }
0xa: {  	[smem:$0x3FB1] =	sst s2  }
0xb: {  	[smem:$0x3FB2] =	sst s3  }
0xc: {  	[smem:$0x3FB3] =	sst s4  }
0xd: {  	[smem:$0x3FB4] =	sst s5  }
0xe: {  	[smem:$0x3FB5] =	sst s6  }
0xf: {  	[smem:$0x3FB6] =	sst s7  }
0x10: {  	[smem:$0x3FB7] =	sst s8  }
0x11: {  	[smem:$0x3FB8] =	sst s9;
	s0 =	simm.s32 @!p0 $0x0  }
0x12: {  	s1 =	sld [smem:$0x3F9E];
	s0 =	simm.s32 @p0 $0x1  }
0x13: {  	[smem:$0x3FB9] =	sst s0;
	s0 =	simm.s32 @!p1 $0x0  }
0x14: {  	s2 =	sld [smem:$0x3F9D];
	s0 =	simm.s32 @p1 $0x1  }
0x15: {  	[smem:$0x3FBA] =	sst s0;
	s0 =	simm.s32 @!p2 $0x0  }
0x16: {  	s3 =	sld [smem:$0x3FDB];
	s0 =	simm.s32 @p2 $0x1  }
0x17: {  	s4 =	simm.s32 $0x1BF5;
	[smem:$0x3FBC] =	sst s0  }
0x18: {  	s0 =	sld [smem:$0x3F9F];
	_ =	swait.ge [sflag:s4], $0x0  }
0x19: {  	s7 =	sld [smem:$0x3FA0]  }
0x1a: {  	s8 =	sadd.s32 $0xFFFFE003, lr  }
0x1b: {  	s9 =	sadd.s32 $0xFFFFFEF7, lr;
	s5 =	simm.s32 $0xFFFFFFFF;
	p2 =	slt.u32 s8, $0xFFFFF086  }
0x1c: {  	p1 =	slt.u32 s9, $0xF7A;
	s5 =	simm.s32 @!p2 $0x0  }
0x1d: {  	s5 =	simm.s32 @p1 $0x1;
	p0 =	seq.s32 s7, s2  }
0x1e: {  	s7 =	smul.u32 @!p0 $0xF7A, s2;
	p2 =	seq.s32 @!p0 s5, $0x0  }
0x1f: {  	s9 =	smul.u32 $0xF7A, s1;
	s8 =	simm.s32 @!p0 $0x1BF5;
	p2 =	por !p2, p0  }
0x20: {  	[sflag:s8] =	ssyncset.s32 @!p0 $0xFFFFF086;
	s6 =	sadd.s32 @!p0 s3, s7;
	s7 =	simm.s32 @!p0 $0x108  }
0x21: {  	s3 =	sadd.s32 s3, s9;
	s6 =	sadd.s32 @!p0 $0x88, s6;
	s7 =	simm.s32 @p2 $0x1082  }
0x22: {  	[simem:s7], [sflag:s8] =	dma.local @!p0 [hbm:s6], $0xF7A  }
0x23: {  	s9 =	sor.u32 $0xD0000000, s2;
	s6 =	simm.s32 $0x108;
	_ =	swait.ge @!p0 [sflag:s8], $0x0  }
0x24: {  	s3 =	sadd.s32 $0x88, s3;
	s6 =	simm.s32 @!p1 $0x1082;
	[sflag:s4] =	ssyncset.s32 $0xFFFFF086  }
0x25: {  	[simem:s6], [sflag:s4] =	dma.local [hbm:s3], $0xF7A  }
0x26: {  	[smem:$0x3FA0] =	sst s1;
	(tag) =	ssettag s2;
	_ =	strace s9  }
0x27: {  	s1 =	sld [smem:$0x3FB0]  }
0x28: {  	s2 =	sld [smem:$0x3FB1]  }
0x29: {  	s4 =	sld [smem:$0x3FB3]  }
0x2a: {  	p0 =	seq.s32 s5, $0x0;
	s5 =	sld [smem:$0x3FB4]  }
0x2b: {  	s6 =	sld [smem:$0x3FB5]  }
0x2c: {  	s7 =	sld [smem:$0x3FB6]  }
0x2d: {  	s3 =	simm.s32 $0x108;
	s8 =	sld [smem:$0x3FB7]  }
0x2e: {  	s3 =	simm.s32 @!p0 $0x1082;
	s9 =	sld [smem:$0x3FB8]  }
0x2f: {  	lr =	sadd.s32 s0, s3;
	s0 =	sld [smem:$0x3FAF]  }
0x30: {  	s3 =	sld [smem:$0x3FB2]  }
0x31: {  	[smem:$0x3FBB] =	sst s10  }
0x32: {  	s10 =	sld [smem:$0x3FB9];
	_ =	sdelay $0x3  }
0x33: {  	p0 =	seq.s32 s10, $0x1;
	s10 =	sld [smem:$0x3FBB];
	_ =	sdelay $0x3  }
0x34: {  	[smem:$0x3FBB] =	sst s10  }
0x35: {  	s10 =	sld [smem:$0x3FBA];
	_ =	sdelay $0x3  }
0x36: {  	p1 =	seq.s32 s10, $0x1;
	s10 =	sld [smem:$0x3FBB];
	_ =	sdelay $0x3  }
0x37: {  	[smem:$0x3FBB] =	sst s10  }
0x38: {  	s10 =	sld [smem:$0x3FBC]  }
0x39: {  	_ = 	snop;
	(pc) =	sbr.ind lr, $3  }
0x3a: {  	_ = 	snop  }
0x3b: {  	_ = 	snop  }
0x3c: {  	p2 =	seq.s32 s10, $0x1;
	s10 =	sld [smem:$0x3FBB]  }
0x3d: {  	_ =	shalt  }
0x3e: {  	_ =	shalt  }
0x3f: {  	_ =	shalt  }
0x40: {  	_ =	shalt  }
0x41: {  	_ =	shalt  }
0x42: {  	_ =	shalt  }
0x43: {  	_ =	shalt  }
0x44: {  	_ =	shalt  }
0x45: {  	_ =	shalt  }
0x46: {  	_ =	shalt  }
0x47: {  	_ =	shalt  }
0x48: {  	_ =	shalt  }
0x49: {  	_ =	shalt  }
0x4a: {  	_ =	shalt  }
0x4b: {  	_ =	shalt  }
0x4c: {  	_ =	shalt  }
0x4d: {  	_ =	shalt  }
0x4e: {  	_ =	shalt  }
0x4f: {  	_ =	shalt  }
0x50: {  	_ =	shalt  }
0x51: {  	_ =	shalt  }
0x52: {  	_ =	shalt  }
0x53: {  	_ =	shalt  }
0x54: {  	_ =	shalt  }
0x55: {  	_ =	shalt  }
0x56: {  	_ =	shalt  }
0x57: {  	_ =	shalt  }
0x58: {  	_ =	shalt  }
0x59: {  	_ =	shalt  }
0x5a: {  	_ =	shalt  }
0x5b: {  	_ =	shalt  }
0x5c: {  	_ =	shalt  }
0x5d: {  	_ =	shalt  }
0x5e: {  	_ =	shalt  }
0x5f: {  	_ =	shalt  }
0x60: {  	_ =	shalt  }
0x61: {  	_ =	shalt  }
0x62: {  	_ =	shalt  }
0x63: {  	_ =	shalt  }
0x64: {  	_ =	shalt  }
0x65: {  	_ =	shalt  }
0x66: {  	_ =	shalt  }
0x67: {  	_ =	shalt  }
0x68: {  	_ =	shalt  }
0x69: {  	_ =	shalt  }
0x6a: {  	_ =	shalt  }
0x6b: {  	_ =	shalt  }
0x6c: {  	_ =	shalt  }
0x6d: {  	_ =	shalt  }
0x6e: {  	_ =	shalt  }
0x6f: {  	_ =	shalt  }
0x70: {  	_ =	shalt  }
0x71: {  	_ =	shalt  }
0x72: {  	_ =	shalt  }
0x73: {  	_ =	shalt  }
0x74: {  	_ =	shalt  }
0x75: {  	_ =	shalt  }
0x76: {  	_ =	shalt  }
0x77: {  	_ =	shalt  }
0x78: {  	_ =	shalt  }
0x79: {  	_ =	shalt  }
0x7a: {  	_ =	shalt  }
0x7b: {  	_ =	shalt  }
0x7c: {  	_ =	shalt  }
0x7d: {  	_ =	shalt  }
0x7e: {  	_ =	shalt  }
0x7f: {  	_ =	shalt  }
0x80: {  	_ =	shalt  }
0x81: {  	_ =	shalt  }
0x82: {  	_ =	shalt  }
0x83: {  	_ =	shalt  }
0x84: {  	_ =	shalt  }
0x85: {  	_ =	shalt  }
0x86: {  	_ =	shalt  }
0x87: {  	_ =	shalt  }
.Lfunc_end0:
.L_simem_size_0:
called_computation_lowered:
.L_overlay_start_0:
0x88: {  	s2 =	sld [smem:$0x3FD9]  }
0x89: {  	s3 =	sld [smem:$0x3FFE];
	_ =	sdelay $0x1  }
0x8a: {  	s1 =	srdreg.scid  }
0x8b: {  	s0 =	sand.u32 $0x1, s1  }
0x8c: {  	s18 =	sshll.u32 s0, $0xA;
	s2 =	sadd.s32 s3, s2  }
0x8d: {  	s2 =	sadd.s32 s2, s18  }
0x8e: {  	[smem:$0x3FC7] =	sst s2  }
0x8f: {  	_ = 	snop  }
0x90: {  	s2 =	sld [smem:$0x3FC9]  }
0x91: {  	s19 =	sld [smem:$0x3FD0];
	(tm) =	ssettm $0x1  }
0x92: {  	s4 =	sld [smem:$0x3FFB];
	_ =	sdelay $0x3  }
0x93: {  	_ =	strace s4  }
0x94: {  	s4 =	sld [smem:$0x3FFC];
	_ =	sdelay $0x3  }
0x95: {  	_ =	strace s4  }
0x96: {  	s4 =	sld [smem:$0x3FFD];
	_ =	sdelay $0x3  }
0x97: {  	_ =	strace s4  }
0x98: {  	_ =	strace $0x8FFFFFFF  }
0x99: {  	s20 =	sld [smem:$0x3FDB];
	_ =	sdelay $0x1  }
0x9a: {  	s5 =	simm.s32 $_scs_section_size  }
0x9b: {  	s6 =	simm.s32 $_size__tile_overlayer_lowered;
	s7 =	simm.s32 $_tile_overlayer_lowered  }
0x9c: {  	s23 =	simm.s32 $0x1BFF;
	s22 =	sshll.u32 s7, $0x1;
	s4 =	sadd.s32 s5, s20  }
0x9d: {  	s8 =	simm.s32 $0x0;
	s21 =	sshll.u32 s6, $0x1;
	s6 =	sadd.s32 s22, s4  }
0x9e: {  	[timem:s8], [sflag:s23] =	dma.local [hbm:s6], s21  }
0x9f: {  	_ =	swait.ge [sflag:s23], s21  }
0xa0: {  	s5 =	ssub.s32 $0x0, s21;
	[sflag:s23] =	ssyncset.done $0x0  }
0xa1: {  	[sflag:s23] =	ssyncadd.s32 s5;
	_ =	sdelay $0x1  }
0xa2: {  	s24 =	simm.s32 $0x1B8B  }
0xa3: {  	_ =	swait.ge [sflag:s24], $0x1  }
0xa4: {  	[sflag:s24] =	ssyncset.done $0x0  }
0xa5: {  	s25 =	simm.s32 $0x1B8E;
	[sflag:s24] =	ssyncadd.s32 $0xFFFFFFFF  }
0xa6: {  	s26 =	simm.s32 $execute0_lowered;
	[smem:$0x3FD2] =	sst s25  }
0xa7: {  	s5 =	sshll.u32 s26, $0x1;
	_ =	strace $0x80000046;
	[dreg:$0x1] =	wrdreg $0xFFFFFFFF  }
0xa8: {  	s28 =	simm.s32 $_size_execute0_lowered;
	s4 =	sadd.s32 s4, s5;
	[dreg:$0x0] =	wrdreg $0x0  }
0xa9: {  	s5 =	sshll.u32 s28, $0x1;
	[dreg:$0x2] =	wrdreg s4  }
0xaa: {  	[dreg:$0x3] =	wrdreg s5  }
0xab: {  	[dreg:$0x4] =	wrdreg $0xC0  }
0xac: {  	_ =	task [dreg:s8], $0x5FFFF  }
0xad: {  	[dreg:$0x1] =	wrdreg $0xFFFFFFFF  }
0xae: {  	[dreg:$0x0] =	wrdreg $0x60  }
0xaf: {  	[dreg:$0x2] =	wrdreg s2  }
0xb0: {  	[dreg:$0x3] =	wrdreg s19  }
0xb1: {  	[dreg:$0x4] =	wrdreg $0x9  }
0xb2: {  	_ =	task.clear_ibuf [dreg:s8], $0x5FFFF;
	_ =	strace $0x90000046  }
0xb3: {  	s29 =	simm.s32 $0x9;
	_ =	strace $0x80000048  }
0xb4: {  	_ =	swait.ge [sflag:s29], $0x1  }
0xb5: {  	[sflag:s29] =	ssyncadd.s32 $0xFFFFFFFF  }
0xb6: {  	_ =	strace $0x90000048  }
0xb7: {  	_ =	sfence  }
0xb8: {  	s30 =	sld [smem:$0x0];
	_ =	sdelay $0x2  }
0xb9: {  	s31 =	sshll.u32 s1, $0xD;
	s1 =	sshrl.u32 s1, $0x2  }
0xba: {  	s3 =	sand.u32 $0x4000, s31;
	s1 =	sadd.s32 s1, s30  }
0xbb: {  	s0 =	sor.u32 s3, s0;
	s1 =	sshll.u32 s1, $0x11  }
0xbc: {  	s0 =	sor.u32 s1, s0  }
0xbd: {  	s0 =	sadd.s32 $0x8F2B, s0  }
0xbe: {  	[sflag:s0] =	ssyncadd.remote.s32 $0x1  }
0xbf: {  	_ =	sfence.sel $0xFFFF  }
0xc0: {  	[dreg:$0x0] =	wrdreg $0xFFFFFFFF;
	(pc) =	sbr.abs _section_cstart, $3  }
0xc1: {  	[dreg:$0x1] =	wrdreg $0xFFFFFFFF  }
0xc2: {  	_ =	task.clear_ibuf [dreg:s8], $0x2FFFF;
	_ =	strace $0x9FFFFFFF  }
0xc3: {  	(tm) =	ssettm $0x7FFFFFFF  }
tec
execute0_lowered:
.L_overlay_start_1:
0x0: {  	(tag) =	ssettag $0x1  }
0x1: {  	s0 =	rddreg [dreg:$0x0]  }
0x2: {  	s1 =	rddreg [dreg:$0x1]  }
0x3: {  	s2 =	simm.s32 $0x0;
	s3 =	srdreg.scid;
	s5 =	stileid.u32  }
0x4: {  	s20 =	simm.s32 $0x80;
	s21 =	simm.s32 $0x400;
	s22 =	simm.s32 $0x1  }
0x5: {  	s23 =	simm.s32 $0x4;
	s24 =	simm.s32 $0x2;
	s28 =	simm.s32 $0x3  }
0x6: {  	s29 =	simm.s32 $0x10000;
	s30 =	simm.s32 $0x6;
	s3 =	sand.u32 $0x1, s3  }
0x7: {  	s31 =	simm.s32 $0x0;
	[smem:$0x7FF] =	sst s2;
	s4 =	ssub.s32 $0x2, s3  }
0x8: {  	s5 =	sshll.u32 s5, $0x10;
	s3 =	sshll.u32 s3, $0xF;
	s6 =	sshrl.u32 s4, $0x1  }
0x9: {  	_ =	strace $0x80000047;
	s8 =	sor.u32 s3, s5;
	s6 =	ssub.s32 s4, s6  }
0xa: {  	s3 =	sadd.s32 s0, s8;
	s9 =	sor.u32 $0x1000, s8;
	s10 =	sor.u32 $0x2000, s8  }
0xb: {  	s12 =	sor.u32 $0x3000, s8;
	s7 =	sadd.s32 s1, s8;
	s14 =	sor.u32 $0x4000, s8  }
0xc: {  	s16 =	sor.u32 $0x5000, s8;
	s26 =	sor.u32 $0x6000, s8;
	s8 =	sor.u32 $0x7000, s8  }
0xd: {  	s4 =	sadd.s32 s0, s9;
	s5 =	sadd.s32 s0, s10;
	[dreg:$0x3] =	wrdreg s7  }
0xe: {  	s7 =	sadd.s32 s0, s12;
	s9 =	sadd.s32 s1, s9;
	s10 =	sadd.s32 s1, s10  }
0xf: {  	s11 =	sadd.s32 s0, s16;
	s25 =	sadd.s32 s1, s12;
	s13 =	sadd.s32 s0, s26  }
0x10: {  	s15 =	sadd.s32 s0, s8;
	s16 =	sadd.s32 s1, s16;
	s17 =	sadd.s32 s1, s26  }
0x11: {  	s18 =	sadd.s32 s1, s8;
	s19 =	smax.u32 s6, $0x1;
	[dreg:$0x4] =	wrdreg s9  }
0x12: {  	s26 =	simm.s32 $0x5;
	s9 =	sadd.s32 s0, s14;
	[dreg:$0x5] =	wrdreg s10  }
0x13: {  	[dreg:$0x6] =	wrdreg s25;
	s14 =	sadd.s32 s1, s14;
	s25 =	simm.s32 $0x8000  }
.LBB2_1:
0x14: {  	s0 =	simm.s32 $0x0  }
0x15: {  	[tilespmem:s0], [sflag:$0x1] =	stream.strided.gather [hbm4b:s3+s20], $0x400, s21, s20, $0x38;
	[tilespmem:$0x18000] =	vst v63  }
0x16: {  	s8 =	sadd.s32 $0x10, s3;
	s1 =	simm.s32 $0x400  }
0x17: {  	[tilespmem:s1], [sflag:$0x1] =	stream.strided.gather [hbm4b:s8+s20], $0x400, s21, s20, $0x38;
	[tilespmem:$0x18000] =	vst v63  }
0x18: {  	s10 =	sadd.s32 $0x20, s3;
	s12 =	simm.s32 $0x800  }
0x19: {  	[tilespmem:s12], [sflag:$0x1] =	stream.strided.gather [hbm4b:s10+s20], $0x400, s21, s20, $0x38;
	[tilespmem:$0x18000] =	vst v63  }
0x1a: {  	s6 =	sadd.s32 $0x30, s3;
	s0 =	simm.s32 $0x8000;
	s8 =	simm.s32 $0xC00  }
0x1b: {  	[tilespmem:s8], [sflag:$0x1] =	stream.strided.gather [hbm4b:s6+s20], $0x400, s21, s20, $0x38;
	[tilespmem:$0x18000] =	vst v63  }
0x1c: {  	s1 =	sadd.s32 $0x400, s3;
	s10 =	sadd.s32 $0x40, s3;
	s12 =	simm.s32 $0x1000  }
0x1d: {  	[tilespmem:s12], [sflag:$0x1] =	stream.strided.gather [hbm4b:s10+s20], $0x400, s21, s20, $0x38;
	[tilespmem:$0x18000] =	vst v63  }
0x1e: {  	s6 =	sadd.s32 $0x50, s3;
	s8 =	simm.s32 $0x1400;
	s10 =	sadd.s32 $0x60, s3  }
0x1f: {  	[tilespmem:s8], [sflag:$0x1] =	stream.strided.gather [hbm4b:s6+s20], $0x400, s21, s20, $0x38;
	[tilespmem:$0x18000] =	vst v63  }
0x20: {  	s12 =	simm.s32 $0x1800;
	s6 =	sadd.s32 $0x70, s3;
	s8 =	simm.s32 $0x1C00  }
0x21: {  	[tilespmem:s12], [sflag:$0x1] =	stream.strided.gather [hbm4b:s10+s20], $0x400, s21, s20, $0x38;
	[tilespmem:$0x18000] =	vst v63  }
.LBB2_2:
0x22: {  	[tilespmem:s8], [sflag:$0x1] =	stream.strided.gather [hbm4b:s6+s20], $0x400, s21, s20, $0x38;
	[tilespmem:$0x18000] =	vst v63  }
0x23: {  	s8 =	sshra.s32 s0, $0x2;
	p0 =	sne.s32 s0, $0x18000;
	s0 =	sadd.s32 $0x8000, s0  }
0x24: {  	[tilespmem:s8], [sflag:$0x1] =	stream.strided.gather [hbm4b:s1+s20], $0x400, s21, s20, $0x38;
	[tilespmem:$0x18000] =	vst v63  }
0x25: {  	s6 =	sadd.s32 $0x10, s1;
	s10 =	sadd.s32 $0x400, s8  }
0x26: {  	[tilespmem:s10], [sflag:$0x1] =	stream.strided.gather [hbm4b:s6+s20], $0x400, s21, s20, $0x38;
	[tilespmem:$0x18000] =	vst v63  }
0x27: {  	s6 =	sadd.s32 $0x20, s1;
	s10 =	sadd.s32 $0x800, s8  }
0x28: {  	[tilespmem:s10], [sflag:$0x1] =	stream.strided.gather [hbm4b:s6+s20], $0x400, s21, s20, $0x38;
	[tilespmem:$0x18000] =	vst v63  }
0x29: {  	s6 =	sadd.s32 $0x30, s1;
	s10 =	sadd.s32 $0xC00, s8  }
0x2a: {  	[tilespmem:s10], [sflag:$0x1] =	stream.strided.gather [hbm4b:s6+s20], $0x400, s21, s20, $0x38;
	[tilespmem:$0x18000] =	vst v63  }
0x2b: {  	s6 =	sadd.s32 $0x40, s1;
	s10 =	sadd.s32 $0x1000, s8  }
0x2c: {  	[tilespmem:s10], [sflag:$0x1] =	stream.strided.gather [hbm4b:s6+s20], $0x400, s21, s20, $0x38;
	[tilespmem:$0x18000] =	vst v63  }
.Ltmp0:
0x2d: {  	s6 =	sadd.s32 $0x50, s1;
	s10 =	sadd.s32 $0x1400, s8;
	(pc) =	sbr.rel @p0 .LBB2_2-.Ltmp0, $4  }
0x2e: {  	[tilespmem:s10], [sflag:$0x1] =	stream.strided.gather [hbm4b:s6+s20], $0x400, s21, s20, $0x38;
	[tilespmem:$0x18000] =	vst v63  }
0x2f: {  	s6 =	sadd.s32 $0x60, s1;
	s10 =	sadd.s32 $0x1800, s8  }
0x30: {  	[tilespmem:s10], [sflag:$0x1] =	stream.strided.gather [hbm4b:s6+s20], $0x400, s21, s20, $0x38;
	[tilespmem:$0x18000] =	vst v63  }
0x31: {  	s8 =	sadd.s32 $0x1C00, s8;
	s6 =	sadd.s32 $0x70, s1;
	s1 =	sadd.s32 $0x400, s1  }
0x32: {  	[tilespmem:s8], [sflag:$0x1] =	stream.strided.gather [hbm4b:s6+s20], $0x400, s21, s20, $0x38;
	[tilespmem:$0x18000] =	vst v63  }
0x33: {  	s0 =	simm.s32 $0x8000  }
0x34: {  	[tilespmem:s0], [sflag:$0x2] =	stream.strided.gather [hbm4b:s4+s20], $0x400, s21, s20, $0x38;
	[tilespmem:$0x18000] =	vst v63  }
0x35: {  	s8 =	sadd.s32 $0x10, s4;
	s1 =	simm.s32 $0x8400  }
0x36: {  	[tilespmem:s1], [sflag:$0x2] =	stream.strided.gather [hbm4b:s8+s20], $0x400, s21, s20, $0x38;
	[tilespmem:$0x18000] =	vst v63  }
0x37: {  	s10 =	sadd.s32 $0x20, s4;
	s12 =	simm.s32 $0x8800  }
0x38: {  	[tilespmem:s12], [sflag:$0x2] =	stream.strided.gather [hbm4b:s10+s20], $0x400, s21, s20, $0x38;
	[tilespmem:$0x18000] =	vst v63  }
0x39: {  	s6 =	sadd.s32 $0x30, s4;
	s8 =	simm.s32 $0x8C00  }
0x3a: {  	[tilespmem:s8], [sflag:$0x2] =	stream.strided.gather [hbm4b:s6+s20], $0x400, s21, s20, $0x38;
	[tilespmem:$0x18000] =	vst v63  }
0x3b: {  	s10 =	sadd.s32 $0x40, s4;
	s12 =	simm.s32 $0x9000  }
0x3c: {  	[tilespmem:s12], [sflag:$0x2] =	stream.strided.gather [hbm4b:s10+s20], $0x400, s21, s20, $0x38;
	[tilespmem:$0x18000] =	vst v63  }
0x3d: {  	s0 =	simm.s32 $0x2000;
	s6 =	sadd.s32 $0x50, s4;
	s8 =	simm.s32 $0x9400  }
0x3e: {  	[tilespmem:s8], [sflag:$0x2] =	stream.strided.gather [hbm4b:s6+s20], $0x400, s21, s20, $0x38;
	[tilespmem:$0x18000] =	vst v63  }
0x3f: {  	s1 =	sadd.s32 $0x400, s4;
	s10 =	sadd.s32 $0x60, s4;
	s12 =	simm.s32 $0x9800  }
0x40: {  	[tilespmem:s12], [sflag:$0x2] =	stream.strided.gather [hbm4b:s10+s20], $0x400, s21, s20, $0x38;
	[tilespmem:$0x18000] =	vst v63  }
0x41: {  	s6 =	simm.s32 $0x10000;
	s8 =	sadd.s32 $0x70, s4;
	s10 =	simm.s32 $0x9C00  }
.LBB2_4:
0x42: {  	[tilespmem:s10], [sflag:$0x2] =	stream.strided.gather [hbm4b:s8+s20], $0x400, s21, s20, $0x38;
	[tilespmem:$0x18000] =	vst v63  }
0x43: {  	s10 =	smov.u32 s0;
	s0 =	smov.u32 s6  }
0x44: {  	s12 =	sadd.s32 $0x8000, s6;
	s0 =	sshra.s32 s0, $0x2;
	s8 =	sadd.s32 $0x8000, s10  }
0x45: {  	[tilespmem:s8], [sflag:$0x2] =	stream.strided.gather [hbm4b:s1+s20], $0x400, s21, s20, $0x38;
	[tilespmem:$0x18000] =	vst v63  }
0x46: {  	p0 =	sne.s32 s6, $0x18000;
	s6 =	sadd.s32 $0x10, s1;
	s8 =	sadd.s32 $0x8400, s10  }
0x47: {  	[tilespmem:s8], [sflag:$0x2] =	stream.strided.gather [hbm4b:s6+s20], $0x400, s21, s20, $0x38;
	[tilespmem:$0x18000] =	vst v63  }
0x48: {  	s6 =	sadd.s32 $0x20, s1;
	s8 =	sadd.s32 $0x8800, s10  }
0x49: {  	[tilespmem:s8], [sflag:$0x2] =	stream.strided.gather [hbm4b:s6+s20], $0x400, s21, s20, $0x38;
	[tilespmem:$0x18000] =	vst v63  }
0x4a: {  	s6 =	sadd.s32 $0x30, s1;
	s8 =	sadd.s32 $0x8C00, s10  }
0x4b: {  	[tilespmem:s8], [sflag:$0x2] =	stream.strided.gather [hbm4b:s6+s20], $0x400, s21, s20, $0x38;
	[tilespmem:$0x18000] =	vst v63  }
0x4c: {  	s6 =	sadd.s32 $0x40, s1;
	s8 =	sadd.s32 $0x9000, s10  }
0x4d: {  	[tilespmem:s8], [sflag:$0x2] =	stream.strided.gather [hbm4b:s6+s20], $0x400, s21, s20, $0x38;
	[tilespmem:$0x18000] =	vst v63  }
.Ltmp1:
0x4e: {  	s6 =	sadd.s32 $0x50, s1;
	s8 =	sadd.s32 $0x9400, s10;
	(pc) =	sbr.rel @p0 .LBB2_4-.Ltmp1, $4  }
0x4f: {  	[tilespmem:s8], [sflag:$0x2] =	stream.strided.gather [hbm4b:s6+s20], $0x400, s21, s20, $0x38;
	[tilespmem:$0x18000] =	vst v63  }
0x50: {  	s6 =	sadd.s32 $0x60, s1;
	s8 =	sadd.s32 $0x9800, s10;
	s10 =	sadd.s32 $0x9C00, s10  }
0x51: {  	[tilespmem:s8], [sflag:$0x2] =	stream.strided.gather [hbm4b:s6+s20], $0x400, s21, s20, $0x38;
	[tilespmem:$0x18000] =	vst v63  }
0x52: {  	s8 =	sadd.s32 $0x70, s1;
	s1 =	sadd.s32 $0x400, s1;
	s6 =	smov.u32 s12  }
0x53: {  	[tilespmem:s10], [sflag:$0x2] =	stream.strided.gather [hbm4b:s8+s20], $0x400, s21, s20, $0x38;
	[tilespmem:$0x18000] =	vst v63  }
0x54: {  	s6 =	sadd.s32 $0x8000, s0  }
0x55: {  	[tilespmem:s6], [sflag:$0x2] =	stream.strided.gather [hbm4b:s1+s20], $0x400, s21, s20, $0x38;
	[tilespmem:$0x18000] =	vst v63  }
0x56: {  	s10 =	sadd.s32 $0x10, s1;
	s12 =	sadd.s32 $0x8400, s0  }
0x57: {  	[tilespmem:s12], [sflag:$0x2] =	stream.strided.gather [hbm4b:s10+s20], $0x400, s21, s20, $0x38;
	[tilespmem:$0x18000] =	vst v63  }
0x58: {  	s10 =	sadd.s32 $0x20, s1;
	s12 =	sadd.s32 $0x8800, s0  }
0x59: {  	[tilespmem:s12], [sflag:$0x2] =	stream.strided.gather [hbm4b:s10+s20], $0x400, s21, s20, $0x38;
	[tilespmem:$0x18000] =	vst v63  }
0x5a: {  	s10 =	sadd.s32 $0x30, s1;
	s12 =	sadd.s32 $0x8C00, s0  }
0x5b: {  	[tilespmem:s12], [sflag:$0x2] =	stream.strided.gather [hbm4b:s10+s20], $0x400, s21, s20, $0x38;
	[tilespmem:$0x18000] =	vst v63  }
0x5c: {  	s10 =	sadd.s32 $0x40, s1;
	s12 =	sadd.s32 $0x9000, s0  }
0x5d: {  	[tilespmem:s12], [sflag:$0x2] =	stream.strided.gather [hbm4b:s10+s20], $0x400, s21, s20, $0x38;
	[tilespmem:$0x18000] =	vst v63  }
0x5e: {  	s10 =	sadd.s32 $0x50, s1;
	s12 =	sadd.s32 $0x9400, s0  }
0x5f: {  	[tilespmem:s12], [sflag:$0x2] =	stream.strided.gather [hbm4b:s10+s20], $0x400, s21, s20, $0x38;
	[tilespmem:$0x18000] =	vst v63  }
0x60: {  	s10 =	sadd.s32 $0x60, s1;
	s12 =	sadd.s32 $0x9800, s0  }
0x61: {  	[tilespmem:s12], [sflag:$0x2] =	stream.strided.gather [hbm4b:s10+s20], $0x400, s21, s20, $0x38;
	[tilespmem:$0x18000] =	vst v63  }
0x62: {  	s10 =	sadd.s32 $0x70, s1;
	s12 =	sadd.s32 $0x9C00, s0  }
0x63: {  	[tilespmem:s12], [sflag:$0x2] =	stream.strided.gather [hbm4b:s10+s20], $0x400, s21, s20, $0x38;
	[tilespmem:$0x18000] =	vst v63  }
0x64: {  	s1 =	simm.s32 $0x10000  }
0x65: {  	[tilespmem:s1], [sflag:$0x3] =	stream.strided.gather [hbm4b:s5+s20], $0x400, s21, s20, $0x38;
	[tilespmem:$0x18000] =	vst v63  }
0x66: {  	s8 =	simm.s32 $0x10400;
	s6 =	sadd.s32 $0x10, s5  }
0x67: {  	[tilespmem:s8], [sflag:$0x3] =	stream.strided.gather [hbm4b:s6+s20], $0x400, s21, s20, $0x38;
	[tilespmem:$0x18000] =	vst v63  }
0x68: {  	s10 =	sadd.s32 $0x20, s5;
	s12 =	simm.s32 $0x10800  }
0x69: {  	[tilespmem:s12], [sflag:$0x3] =	stream.strided.gather [hbm4b:s10+s20], $0x400, s21, s20, $0x38;
	[tilespmem:$0x18000] =	vst v63  }
0x6a: {  	s6 =	sadd.s32 $0x30, s5;
	s8 =	simm.s32 $0x10C00  }
0x6b: {  	[tilespmem:s8], [sflag:$0x3] =	stream.strided.gather [hbm4b:s6+s20], $0x400, s21, s20, $0x38;
	[tilespmem:$0x18000] =	vst v63  }
0x6c: {  	s10 =	sadd.s32 $0x40, s5;
	s12 =	simm.s32 $0x11000  }
0x6d: {  	[tilespmem:s12], [sflag:$0x3] =	stream.strided.gather [hbm4b:s10+s20], $0x400, s21, s20, $0x38;
	[tilespmem:$0x18000] =	vst v63  }
0x6e: {  	s0 =	simm.s32 $0x2000;
	s6 =	sadd.s32 $0x50, s5;
	s8 =	simm.s32 $0x11400  }
0x6f: {  	[tilespmem:s8], [sflag:$0x3] =	stream.strided.gather [hbm4b:s6+s20], $0x400, s21, s20, $0x38;
	[tilespmem:$0x18000] =	vst v63  }
0x70: {  	s1 =	sadd.s32 $0x400, s5;
	s10 =	sadd.s32 $0x60, s5;
	s12 =	simm.s32 $0x11800  }
0x71: {  	[tilespmem:s12], [sflag:$0x3] =	stream.strided.gather [hbm4b:s10+s20], $0x400, s21, s20, $0x38;
	[tilespmem:$0x18000] =	vst v63  }
0x72: {  	s6 =	simm.s32 $0x10000;
	s8 =	sadd.s32 $0x70, s5;
	s10 =	simm.s32 $0x11C00  }
.LBB2_6:
0x73: {  	[tilespmem:s10], [sflag:$0x3] =	stream.strided.gather [hbm4b:s8+s20], $0x400, s21, s20, $0x38;
	[tilespmem:$0x18000] =	vst v63  }
0x74: {  	s10 =	smov.u32 s0;
	s0 =	smov.u32 s6  }
0x75: {  	s12 =	sadd.s32 $0x8000, s6;
	s0 =	sshra.s32 s0, $0x2;
	s8 =	sadd.s32 $0x10000, s10  }
0x76: {  	[tilespmem:s8], [sflag:$0x3] =	stream.strided.gather [hbm4b:s1+s20], $0x400, s21, s20, $0x38;
	[tilespmem:$0x18000] =	vst v63  }
0x77: {  	p0 =	sne.s32 s6, $0x18000;
	s6 =	sadd.s32 $0x10, s1;
	s8 =	sadd.s32 $0x10400, s10  }
0x78: {  	[tilespmem:s8], [sflag:$0x3] =	stream.strided.gather [hbm4b:s6+s20], $0x400, s21, s20, $0x38;
	[tilespmem:$0x18000] =	vst v63  }
0x79: {  	s6 =	sadd.s32 $0x20, s1;
	s8 =	sadd.s32 $0x10800, s10  }
0x7a: {  	[tilespmem:s8], [sflag:$0x3] =	stream.strided.gather [hbm4b:s6+s20], $0x400, s21, s20, $0x38;
	[tilespmem:$0x18000] =	vst v63  }
0x7b: {  	s6 =	sadd.s32 $0x30, s1;
	s8 =	sadd.s32 $0x10C00, s10  }
0x7c: {  	[tilespmem:s8], [sflag:$0x3] =	stream.strided.gather [hbm4b:s6+s20], $0x400, s21, s20, $0x38;
	[tilespmem:$0x18000] =	vst v63  }
0x7d: {  	s6 =	sadd.s32 $0x40, s1;
	s8 =	sadd.s32 $0x11000, s10  }
0x7e: {  	[tilespmem:s8], [sflag:$0x3] =	stream.strided.gather [hbm4b:s6+s20], $0x400, s21, s20, $0x38;
	[tilespmem:$0x18000] =	vst v63  }
.Ltmp2:
0x7f: {  	s6 =	sadd.s32 $0x50, s1;
	s8 =	sadd.s32 $0x11400, s10;
	(pc) =	sbr.rel @p0 .LBB2_6-.Ltmp2, $4  }
0x80: {  	[tilespmem:s8], [sflag:$0x3] =	stream.strided.gather [hbm4b:s6+s20], $0x400, s21, s20, $0x38;
	[tilespmem:$0x18000] =	vst v63  }
0x81: {  	s6 =	sadd.s32 $0x60, s1;
	s8 =	sadd.s32 $0x11800, s10;
	s10 =	sadd.s32 $0x11C00, s10  }
0x82: {  	[tilespmem:s8], [sflag:$0x3] =	stream.strided.gather [hbm4b:s6+s20], $0x400, s21, s20, $0x38;
	[tilespmem:$0x18000] =	vst v63  }
0x83: {  	s8 =	sadd.s32 $0x70, s1;
	s1 =	sadd.s32 $0x400, s1;
	s6 =	smov.u32 s12  }
0x84: {  	[tilespmem:s10], [sflag:$0x3] =	stream.strided.gather [hbm4b:s8+s20], $0x400, s21, s20, $0x38;
	[tilespmem:$0x18000] =	vst v63  }
0x85: {  	s6 =	sadd.s32 $0x10000, s0  }
0x86: {  	[tilespmem:s6], [sflag:$0x3] =	stream.strided.gather [hbm4b:s1+s20], $0x400, s21, s20, $0x38;
	[tilespmem:$0x18000] =	vst v63  }
0x87: {  	s10 =	sadd.s32 $0x10, s1;
	s12 =	sadd.s32 $0x10400, s0  }
0x88: {  	[tilespmem:s12], [sflag:$0x3] =	stream.strided.gather [hbm4b:s10+s20], $0x400, s21, s20, $0x38;
	[tilespmem:$0x18000] =	vst v63  }
0x89: {  	s10 =	sadd.s32 $0x20, s1;
	s12 =	sadd.s32 $0x10800, s0  }
0x8a: {  	[tilespmem:s12], [sflag:$0x3] =	stream.strided.gather [hbm4b:s10+s20], $0x400, s21, s20, $0x38;
	[tilespmem:$0x18000] =	vst v63  }
0x8b: {  	s10 =	sadd.s32 $0x30, s1;
	s12 =	sadd.s32 $0x10C00, s0  }
0x8c: {  	[tilespmem:s12], [sflag:$0x3] =	stream.strided.gather [hbm4b:s10+s20], $0x400, s21, s20, $0x38;
	[tilespmem:$0x18000] =	vst v63  }
0x8d: {  	s10 =	sadd.s32 $0x40, s1;
	s12 =	sadd.s32 $0x11000, s0  }
0x8e: {  	[tilespmem:s12], [sflag:$0x3] =	stream.strided.gather [hbm4b:s10+s20], $0x400, s21, s20, $0x38;
	[tilespmem:$0x18000] =	vst v63  }
0x8f: {  	s10 =	sadd.s32 $0x50, s1;
	s12 =	sadd.s32 $0x11400, s0  }
0x90: {  	[tilespmem:s12], [sflag:$0x3] =	stream.strided.gather [hbm4b:s10+s20], $0x400, s21, s20, $0x38;
	[tilespmem:$0x18000] =	vst v63  }
0x91: {  	s10 =	sadd.s32 $0x60, s1;
	s12 =	sadd.s32 $0x11800, s0  }
0x92: {  	[tilespmem:s12], [sflag:$0x3] =	stream.strided.gather [hbm4b:s10+s20], $0x400, s21, s20, $0x38;
	[tilespmem:$0x18000] =	vst v63  }
0x93: {  	s8 =	sadd.s32 $0x11C00, s0;
	s6 =	sadd.s32 $0x70, s1  }
0x94: {  	[tilespmem:s8], [sflag:$0x3] =	stream.strided.gather [hbm4b:s6+s20], $0x400, s21, s20, $0x38;
	[tilespmem:$0x18000] =	vst v63  }
0x95: {  	_ =	swait.ge [sflag:s22], $0x8000  }
0x96: {  	[sflag:s22] =	ssyncset.done $0x0  }
0x97: {  	s10 =	simm.s32 $0x0;
	s12 =	rddreg [dreg:$0x3];
	[sflag:s22] =	ssyncadd.s32 $0xFFFF8000  }
0x98: {  	[hbm4b:s12+s10] =	stream.linear.scatter [tilespmem:s10], [sflag:$0x4], $0x8000, $0x38;
	[tilespmem:$0x18000] =	vst v63  }
0x99: {  	_ =	swait.ge [sflag:s23], $0x8000  }
0x9a: {  	[sflag:s23] =	ssyncset.done $0x0  }
0x9b: {  	s1 =	simm.s32 $0x0;
	[sflag:s23] =	ssyncadd.s32 $0xFFFF8000  }
0x9c: {  	[tilespmem:s1], [sflag:$0x1] =	stream.strided.gather [hbm4b:s7+s20], $0x400, s21, s20, $0x38;
	[tilespmem:$0x18000] =	vst v63  }
0x9d: {  	s6 =	sadd.s32 $0x10, s7;
	s8 =	simm.s32 $0x400  }
0x9e: {  	[tilespmem:s8], [sflag:$0x1] =	stream.strided.gather [hbm4b:s6+s20], $0x400, s21, s20, $0x38;
	[tilespmem:$0x18000] =	vst v63  }
0x9f: {  	s10 =	sadd.s32 $0x20, s7;
	s12 =	simm.s32 $0x800  }
0xa0: {  	[tilespmem:s12], [sflag:$0x1] =	stream.strided.gather [hbm4b:s10+s20], $0x400, s21, s20, $0x38;
	[tilespmem:$0x18000] =	vst v63  }
0xa1: {  	s0 =	simm.s32 $0x8000;
	s6 =	sadd.s32 $0x30, s7;
	s8 =	simm.s32 $0xC00  }
0xa2: {  	[tilespmem:s8], [sflag:$0x1] =	stream.strided.gather [hbm4b:s6+s20], $0x400, s21, s20, $0x38;
	[tilespmem:$0x18000] =	vst v63  }
0xa3: {  	s1 =	sadd.s32 $0x400, s7;
	s10 =	sadd.s32 $0x40, s7;
	s12 =	simm.s32 $0x1000  }
0xa4: {  	[tilespmem:s12], [sflag:$0x1] =	stream.strided.gather [hbm4b:s10+s20], $0x400, s21, s20, $0x38;
	[tilespmem:$0x18000] =	vst v63  }
0xa5: {  	s6 =	sadd.s32 $0x50, s7;
	s8 =	simm.s32 $0x1400;
	s10 =	sadd.s32 $0x60, s7  }
0xa6: {  	[tilespmem:s8], [sflag:$0x1] =	stream.strided.gather [hbm4b:s6+s20], $0x400, s21, s20, $0x38;
	[tilespmem:$0x18000] =	vst v63  }
0xa7: {  	s12 =	simm.s32 $0x1800;
	s6 =	sadd.s32 $0x70, s7;
	s8 =	simm.s32 $0x1C00  }
0xa8: {  	[tilespmem:s12], [sflag:$0x1] =	stream.strided.gather [hbm4b:s10+s20], $0x400, s21, s20, $0x38;
	[tilespmem:$0x18000] =	vst v63  }
.LBB2_8:
0xa9: {  	[tilespmem:s8], [sflag:$0x1] =	stream.strided.gather [hbm4b:s6+s20], $0x400, s21, s20, $0x38;
	[tilespmem:$0x18000] =	vst v63  }
0xaa: {  	s8 =	sshra.s32 s0, $0x2;
	p0 =	sne.s32 s0, $0x18000;
	s0 =	sadd.s32 $0x8000, s0  }
0xab: {  	[tilespmem:s8], [sflag:$0x1] =	stream.strided.gather [hbm4b:s1+s20], $0x400, s21, s20, $0x38;
	[tilespmem:$0x18000] =	vst v63  }
0xac: {  	s6 =	sadd.s32 $0x10, s1;
	s10 =	sadd.s32 $0x400, s8  }
0xad: {  	[tilespmem:s10], [sflag:$0x1] =	stream.strided.gather [hbm4b:s6+s20], $0x400, s21, s20, $0x38;
	[tilespmem:$0x18000] =	vst v63  }
0xae: {  	s6 =	sadd.s32 $0x20, s1;
	s10 =	sadd.s32 $0x800, s8  }
0xaf: {  	[tilespmem:s10], [sflag:$0x1] =	stream.strided.gather [hbm4b:s6+s20], $0x400, s21, s20, $0x38;
	[tilespmem:$0x18000] =	vst v63  }
0xb0: {  	s6 =	sadd.s32 $0x30, s1;
	s10 =	sadd.s32 $0xC00, s8  }
0xb1: {  	[tilespmem:s10], [sflag:$0x1] =	stream.strided.gather [hbm4b:s6+s20], $0x400, s21, s20, $0x38;
	[tilespmem:$0x18000] =	vst v63  }
0xb2: {  	s6 =	sadd.s32 $0x40, s1;
	s10 =	sadd.s32 $0x1000, s8  }
0xb3: {  	[tilespmem:s10], [sflag:$0x1] =	stream.strided.gather [hbm4b:s6+s20], $0x400, s21, s20, $0x38;
	[tilespmem:$0x18000] =	vst v63  }
.Ltmp3:
0xb4: {  	s6 =	sadd.s32 $0x50, s1;
	s10 =	sadd.s32 $0x1400, s8;
	(pc) =	sbr.rel @p0 .LBB2_8-.Ltmp3, $4  }
0xb5: {  	[tilespmem:s10], [sflag:$0x1] =	stream.strided.gather [hbm4b:s6+s20], $0x400, s21, s20, $0x38;
	[tilespmem:$0x18000] =	vst v63  }
0xb6: {  	s6 =	sadd.s32 $0x60, s1;
	s10 =	sadd.s32 $0x1800, s8  }
0xb7: {  	[tilespmem:s10], [sflag:$0x1] =	stream.strided.gather [hbm4b:s6+s20], $0x400, s21, s20, $0x38;
	[tilespmem:$0x18000] =	vst v63  }
0xb8: {  	s8 =	sadd.s32 $0x1C00, s8;
	s6 =	sadd.s32 $0x70, s1;
	s1 =	sadd.s32 $0x400, s1  }
0xb9: {  	[tilespmem:s8], [sflag:$0x1] =	stream.strided.gather [hbm4b:s6+s20], $0x400, s21, s20, $0x38;
	[tilespmem:$0x18000] =	vst v63  }
0xba: {  	_ =	swait.ge [sflag:s24], $0x8000  }
0xbb: {  	[sflag:s24] =	ssyncset.done $0x0  }
0xbc: {  	s0 =	simm.s32 $0x0;
	s1 =	rddreg [dreg:$0x4];
	[sflag:s24] =	ssyncadd.s32 $0xFFFF8000  }
0xbd: {  	[hbm4b:s1+s0] =	stream.linear.scatter [tilespmem:s25], [sflag:$0x5], $0x8000, $0x38;
	[tilespmem:$0x18000] =	vst v63  }
0xbe: {  	_ =	swait.ge [sflag:s26], $0x8000  }
0xbf: {  	[sflag:s26] =	ssyncset.done $0x0  }
0xc0: {  	s1 =	simm.s32 $0x8000;
	[sflag:s26] =	ssyncadd.s32 $0xFFFF8000  }
0xc1: {  	[tilespmem:s1], [sflag:$0x2] =	stream.strided.gather [hbm4b:s9+s20], $0x400, s21, s20, $0x38;
	[tilespmem:$0x18000] =	vst v63  }
0xc2: {  	s6 =	sadd.s32 $0x10, s9;
	s8 =	simm.s32 $0x8400  }
0xc3: {  	[tilespmem:s8], [sflag:$0x2] =	stream.strided.gather [hbm4b:s6+s20], $0x400, s21, s20, $0x38;
	[tilespmem:$0x18000] =	vst v63  }
0xc4: {  	s10 =	sadd.s32 $0x20, s9;
	s12 =	simm.s32 $0x8800  }
0xc5: {  	[tilespmem:s12], [sflag:$0x2] =	stream.strided.gather [hbm4b:s10+s20], $0x400, s21, s20, $0x38;
	[tilespmem:$0x18000] =	vst v63  }
0xc6: {  	s6 =	sadd.s32 $0x30, s9;
	s8 =	simm.s32 $0x8C00  }
0xc7: {  	[tilespmem:s8], [sflag:$0x2] =	stream.strided.gather [hbm4b:s6+s20], $0x400, s21, s20, $0x38;
	[tilespmem:$0x18000] =	vst v63  }
0xc8: {  	s10 =	sadd.s32 $0x40, s9;
	s12 =	simm.s32 $0x9000  }
0xc9: {  	[tilespmem:s12], [sflag:$0x2] =	stream.strided.gather [hbm4b:s10+s20], $0x400, s21, s20, $0x38;
	[tilespmem:$0x18000] =	vst v63  }
0xca: {  	s0 =	simm.s32 $0x2000;
	s6 =	sadd.s32 $0x50, s9;
	s8 =	simm.s32 $0x9400  }
0xcb: {  	[tilespmem:s8], [sflag:$0x2] =	stream.strided.gather [hbm4b:s6+s20], $0x400, s21, s20, $0x38;
	[tilespmem:$0x18000] =	vst v63  }
0xcc: {  	s1 =	sadd.s32 $0x400, s9;
	s10 =	sadd.s32 $0x60, s9;
	s12 =	simm.s32 $0x9800  }
0xcd: {  	[tilespmem:s12], [sflag:$0x2] =	stream.strided.gather [hbm4b:s10+s20], $0x400, s21, s20, $0x38;
	[tilespmem:$0x18000] =	vst v63  }
0xce: {  	s6 =	simm.s32 $0x10000;
	s8 =	sadd.s32 $0x70, s9;
	s10 =	simm.s32 $0x9C00  }
.LBB2_10:
0xcf: {  	[tilespmem:s10], [sflag:$0x2] =	stream.strided.gather [hbm4b:s8+s20], $0x400, s21, s20, $0x38;
	[tilespmem:$0x18000] =	vst v63  }
0xd0: {  	s10 =	smov.u32 s0;
	s0 =	smov.u32 s6  }
0xd1: {  	s12 =	sadd.s32 $0x8000, s6;
	s0 =	sshra.s32 s0, $0x2;
	s8 =	sadd.s32 $0x8000, s10  }
0xd2: {  	[tilespmem:s8], [sflag:$0x2] =	stream.strided.gather [hbm4b:s1+s20], $0x400, s21, s20, $0x38;
	[tilespmem:$0x18000] =	vst v63  }
0xd3: {  	p0 =	sne.s32 s6, $0x18000;
	s6 =	sadd.s32 $0x10, s1;
	s8 =	sadd.s32 $0x8400, s10  }
0xd4: {  	[tilespmem:s8], [sflag:$0x2] =	stream.strided.gather [hbm4b:s6+s20], $0x400, s21, s20, $0x38;
	[tilespmem:$0x18000] =	vst v63  }
0xd5: {  	s6 =	sadd.s32 $0x20, s1;
	s8 =	sadd.s32 $0x8800, s10  }
0xd6: {  	[tilespmem:s8], [sflag:$0x2] =	stream.strided.gather [hbm4b:s6+s20], $0x400, s21, s20, $0x38;
	[tilespmem:$0x18000] =	vst v63  }
0xd7: {  	s6 =	sadd.s32 $0x30, s1;
	s8 =	sadd.s32 $0x8C00, s10  }
0xd8: {  	[tilespmem:s8], [sflag:$0x2] =	stream.strided.gather [hbm4b:s6+s20], $0x400, s21, s20, $0x38;
	[tilespmem:$0x18000] =	vst v63  }
0xd9: {  	s6 =	sadd.s32 $0x40, s1;
	s8 =	sadd.s32 $0x9000, s10  }
0xda: {  	[tilespmem:s8], [sflag:$0x2] =	stream.strided.gather [hbm4b:s6+s20], $0x400, s21, s20, $0x38;
	[tilespmem:$0x18000] =	vst v63  }
.Ltmp4:
0xdb: {  	s6 =	sadd.s32 $0x50, s1;
	s8 =	sadd.s32 $0x9400, s10;
	(pc) =	sbr.rel @p0 .LBB2_10-.Ltmp4, $4  }
0xdc: {  	[tilespmem:s8], [sflag:$0x2] =	stream.strided.gather [hbm4b:s6+s20], $0x400, s21, s20, $0x38;
	[tilespmem:$0x18000] =	vst v63  }
0xdd: {  	s6 =	sadd.s32 $0x60, s1;
	s8 =	sadd.s32 $0x9800, s10;
	s10 =	sadd.s32 $0x9C00, s10  }
0xde: {  	[tilespmem:s8], [sflag:$0x2] =	stream.strided.gather [hbm4b:s6+s20], $0x400, s21, s20, $0x38;
	[tilespmem:$0x18000] =	vst v63  }
0xdf: {  	s8 =	sadd.s32 $0x70, s1;
	s1 =	sadd.s32 $0x400, s1;
	s6 =	smov.u32 s12  }
0xe0: {  	[tilespmem:s10], [sflag:$0x2] =	stream.strided.gather [hbm4b:s8+s20], $0x400, s21, s20, $0x38;
	[tilespmem:$0x18000] =	vst v63  }
0xe1: {  	s6 =	sadd.s32 $0x8000, s0  }
0xe2: {  	[tilespmem:s6], [sflag:$0x2] =	stream.strided.gather [hbm4b:s1+s20], $0x400, s21, s20, $0x38;
	[tilespmem:$0x18000] =	vst v63  }
0xe3: {  	s10 =	sadd.s32 $0x10, s1;
	s12 =	sadd.s32 $0x8400, s0  }
0xe4: {  	[tilespmem:s12], [sflag:$0x2] =	stream.strided.gather [hbm4b:s10+s20], $0x400, s21, s20, $0x38;
	[tilespmem:$0x18000] =	vst v63  }
0xe5: {  	s10 =	sadd.s32 $0x20, s1;
	s12 =	sadd.s32 $0x8800, s0  }
0xe6: {  	[tilespmem:s12], [sflag:$0x2] =	stream.strided.gather [hbm4b:s10+s20], $0x400, s21, s20, $0x38;
	[tilespmem:$0x18000] =	vst v63  }
0xe7: {  	s10 =	sadd.s32 $0x30, s1;
	s12 =	sadd.s32 $0x8C00, s0  }
0xe8: {  	[tilespmem:s12], [sflag:$0x2] =	stream.strided.gather [hbm4b:s10+s20], $0x400, s21, s20, $0x38;
	[tilespmem:$0x18000] =	vst v63  }
0xe9: {  	s10 =	sadd.s32 $0x40, s1;
	s12 =	sadd.s32 $0x9000, s0  }
0xea: {  	[tilespmem:s12], [sflag:$0x2] =	stream.strided.gather [hbm4b:s10+s20], $0x400, s21, s20, $0x38;
	[tilespmem:$0x18000] =	vst v63  }
0xeb: {  	s10 =	sadd.s32 $0x50, s1;
	s12 =	sadd.s32 $0x9400, s0  }
0xec: {  	[tilespmem:s12], [sflag:$0x2] =	stream.strided.gather [hbm4b:s10+s20], $0x400, s21, s20, $0x38;
	[tilespmem:$0x18000] =	vst v63  }
0xed: {  	s10 =	sadd.s32 $0x60, s1;
	s12 =	sadd.s32 $0x9800, s0  }
0xee: {  	[tilespmem:s12], [sflag:$0x2] =	stream.strided.gather [hbm4b:s10+s20], $0x400, s21, s20, $0x38;
	[tilespmem:$0x18000] =	vst v63  }
0xef: {  	s8 =	sadd.s32 $0x9C00, s0;
	s6 =	sadd.s32 $0x70, s1  }
0xf0: {  	[tilespmem:s8], [sflag:$0x2] =	stream.strided.gather [hbm4b:s6+s20], $0x400, s21, s20, $0x38;
	[tilespmem:$0x18000] =	vst v63  }
0xf1: {  	_ =	swait.ge [sflag:s28], $0x8000  }
0xf2: {  	[sflag:s28] =	ssyncset.done $0x0  }
0xf3: {  	s10 =	simm.s32 $0x0;
	s12 =	rddreg [dreg:$0x5];
	[sflag:s28] =	ssyncadd.s32 $0xFFFF8000  }
0xf4: {  	[hbm4b:s12+s10] =	stream.linear.scatter [tilespmem:s29], [sflag:$0x6], $0x8000, $0x38;
	[tilespmem:$0x18000] =	vst v63  }
0xf5: {  	_ =	swait.ge [sflag:s30], $0x8000  }
0xf6: {  	[sflag:s30] =	ssyncset.done $0x0  }
0xf7: {  	s1 =	simm.s32 $0x10000;
	[sflag:s30] =	ssyncadd.s32 $0xFFFF8000  }
0xf8: {  	[tilespmem:s1], [sflag:$0x3] =	stream.strided.gather [hbm4b:s11+s20], $0x400, s21, s20, $0x38;
	[tilespmem:$0x18000] =	vst v63  }
0xf9: {  	s6 =	sadd.s32 $0x10, s11;
	s8 =	simm.s32 $0x10400  }
0xfa: {  	[tilespmem:s8], [sflag:$0x3] =	stream.strided.gather [hbm4b:s6+s20], $0x400, s21, s20, $0x38;
	[tilespmem:$0x18000] =	vst v63  }
0xfb: {  	s10 =	sadd.s32 $0x20, s11;
	s12 =	simm.s32 $0x10800  }
0xfc: {  	[tilespmem:s12], [sflag:$0x3] =	stream.strided.gather [hbm4b:s10+s20], $0x400, s21, s20, $0x38;
	[tilespmem:$0x18000] =	vst v63  }
0xfd: {  	s6 =	sadd.s32 $0x30, s11;
	s8 =	simm.s32 $0x10C00  }
0xfe: {  	[tilespmem:s8], [sflag:$0x3] =	stream.strided.gather [hbm4b:s6+s20], $0x400, s21, s20, $0x38;
	[tilespmem:$0x18000] =	vst v63  }
0xff: {  	s10 =	sadd.s32 $0x40, s11;
	s12 =	simm.s32 $0x11000  }
0x100: {  	[tilespmem:s12], [sflag:$0x3] =	stream.strided.gather [hbm4b:s10+s20], $0x400, s21, s20, $0x38;
	[tilespmem:$0x18000] =	vst v63  }
0x101: {  	s0 =	simm.s32 $0x2000;
	s6 =	sadd.s32 $0x50, s11;
	s8 =	simm.s32 $0x11400  }
0x102: {  	[tilespmem:s8], [sflag:$0x3] =	stream.strided.gather [hbm4b:s6+s20], $0x400, s21, s20, $0x38;
	[tilespmem:$0x18000] =	vst v63  }
0x103: {  	s1 =	sadd.s32 $0x400, s11;
	s10 =	sadd.s32 $0x60, s11;
	s12 =	simm.s32 $0x11800  }
0x104: {  	[tilespmem:s12], [sflag:$0x3] =	stream.strided.gather [hbm4b:s10+s20], $0x400, s21, s20, $0x38;
	[tilespmem:$0x18000] =	vst v63  }
0x105: {  	s6 =	simm.s32 $0x10000;
	s8 =	sadd.s32 $0x70, s11;
	s10 =	simm.s32 $0x11C00  }
.LBB2_12:
0x106: {  	[tilespmem:s10], [sflag:$0x3] =	stream.strided.gather [hbm4b:s8+s20], $0x400, s21, s20, $0x38;
	[tilespmem:$0x18000] =	vst v63  }
0x107: {  	s10 =	smov.u32 s0;
	s0 =	smov.u32 s6  }
0x108: {  	s12 =	sadd.s32 $0x8000, s6;
	s0 =	sshra.s32 s0, $0x2;
	s8 =	sadd.s32 $0x10000, s10  }
0x109: {  	[tilespmem:s8], [sflag:$0x3] =	stream.strided.gather [hbm4b:s1+s20], $0x400, s21, s20, $0x38;
	[tilespmem:$0x18000] =	vst v63  }
0x10a: {  	p0 =	sne.s32 s6, $0x18000;
	s6 =	sadd.s32 $0x10, s1;
	s8 =	sadd.s32 $0x10400, s10  }
0x10b: {  	[tilespmem:s8], [sflag:$0x3] =	stream.strided.gather [hbm4b:s6+s20], $0x400, s21, s20, $0x38;
	[tilespmem:$0x18000] =	vst v63  }
0x10c: {  	s6 =	sadd.s32 $0x20, s1;
	s8 =	sadd.s32 $0x10800, s10  }
0x10d: {  	[tilespmem:s8], [sflag:$0x3] =	stream.strided.gather [hbm4b:s6+s20], $0x400, s21, s20, $0x38;
	[tilespmem:$0x18000] =	vst v63  }
0x10e: {  	s6 =	sadd.s32 $0x30, s1;
	s8 =	sadd.s32 $0x10C00, s10  }
0x10f: {  	[tilespmem:s8], [sflag:$0x3] =	stream.strided.gather [hbm4b:s6+s20], $0x400, s21, s20, $0x38;
	[tilespmem:$0x18000] =	vst v63  }
0x110: {  	s6 =	sadd.s32 $0x40, s1;
	s8 =	sadd.s32 $0x11000, s10  }
0x111: {  	[tilespmem:s8], [sflag:$0x3] =	stream.strided.gather [hbm4b:s6+s20], $0x400, s21, s20, $0x38;
	[tilespmem:$0x18000] =	vst v63  }
.Ltmp5:
0x112: {  	s6 =	sadd.s32 $0x50, s1;
	s8 =	sadd.s32 $0x11400, s10;
	(pc) =	sbr.rel @p0 .LBB2_12-.Ltmp5, $4  }
0x113: {  	[tilespmem:s8], [sflag:$0x3] =	stream.strided.gather [hbm4b:s6+s20], $0x400, s21, s20, $0x38;
	[tilespmem:$0x18000] =	vst v63  }
0x114: {  	s6 =	sadd.s32 $0x60, s1;
	s8 =	sadd.s32 $0x11800, s10;
	s10 =	sadd.s32 $0x11C00, s10  }
0x115: {  	[tilespmem:s8], [sflag:$0x3] =	stream.strided.gather [hbm4b:s6+s20], $0x400, s21, s20, $0x38;
	[tilespmem:$0x18000] =	vst v63  }
0x116: {  	s8 =	sadd.s32 $0x70, s1;
	s1 =	sadd.s32 $0x400, s1;
	s6 =	smov.u32 s12  }
0x117: {  	[tilespmem:s10], [sflag:$0x3] =	stream.strided.gather [hbm4b:s8+s20], $0x400, s21, s20, $0x38;
	[tilespmem:$0x18000] =	vst v63  }
0x118: {  	s6 =	sadd.s32 $0x10000, s0  }
0x119: {  	[tilespmem:s6], [sflag:$0x3] =	stream.strided.gather [hbm4b:s1+s20], $0x400, s21, s20, $0x38;
	[tilespmem:$0x18000] =	vst v63  }
0x11a: {  	s10 =	sadd.s32 $0x10, s1;
	s12 =	sadd.s32 $0x10400, s0  }
0x11b: {  	[tilespmem:s12], [sflag:$0x3] =	stream.strided.gather [hbm4b:s10+s20], $0x400, s21, s20, $0x38;
	[tilespmem:$0x18000] =	vst v63  }
0x11c: {  	s10 =	sadd.s32 $0x20, s1;
	s12 =	sadd.s32 $0x10800, s0  }
0x11d: {  	[tilespmem:s12], [sflag:$0x3] =	stream.strided.gather [hbm4b:s10+s20], $0x400, s21, s20, $0x38;
	[tilespmem:$0x18000] =	vst v63  }
0x11e: {  	s10 =	sadd.s32 $0x30, s1;
	s12 =	sadd.s32 $0x10C00, s0  }
0x11f: {  	[tilespmem:s12], [sflag:$0x3] =	stream.strided.gather [hbm4b:s10+s20], $0x400, s21, s20, $0x38;
	[tilespmem:$0x18000] =	vst v63  }
0x120: {  	s10 =	sadd.s32 $0x40, s1;
	s12 =	sadd.s32 $0x11000, s0  }
0x121: {  	[tilespmem:s12], [sflag:$0x3] =	stream.strided.gather [hbm4b:s10+s20], $0x400, s21, s20, $0x38;
	[tilespmem:$0x18000] =	vst v63  }
0x122: {  	s10 =	sadd.s32 $0x50, s1;
	s12 =	sadd.s32 $0x11400, s0  }
0x123: {  	[tilespmem:s12], [sflag:$0x3] =	stream.strided.gather [hbm4b:s10+s20], $0x400, s21, s20, $0x38;
	[tilespmem:$0x18000] =	vst v63  }
0x124: {  	s10 =	sadd.s32 $0x60, s1;
	s12 =	sadd.s32 $0x11800, s0  }
0x125: {  	[tilespmem:s12], [sflag:$0x3] =	stream.strided.gather [hbm4b:s10+s20], $0x400, s21, s20, $0x38;
	[tilespmem:$0x18000] =	vst v63  }
0x126: {  	s8 =	sadd.s32 $0x11C00, s0;
	s6 =	sadd.s32 $0x70, s1  }
0x127: {  	[tilespmem:s8], [sflag:$0x3] =	stream.strided.gather [hbm4b:s6+s20], $0x400, s21, s20, $0x38;
	[tilespmem:$0x18000] =	vst v63  }
0x128: {  	_ =	swait.ge [sflag:s22], $0x8000  }
0x129: {  	[sflag:s22] =	ssyncset.done $0x0  }
0x12a: {  	s10 =	simm.s32 $0x0;
	s12 =	rddreg [dreg:$0x6];
	[sflag:s22] =	ssyncadd.s32 $0xFFFF8000  }
0x12b: {  	[hbm4b:s12+s10] =	stream.linear.scatter [tilespmem:s10], [sflag:$0x4], $0x8000, $0x38;
	[tilespmem:$0x18000] =	vst v63  }
0x12c: {  	_ =	swait.ge [sflag:s23], $0x8000  }
0x12d: {  	[sflag:s23] =	ssyncset.done $0x0  }
0x12e: {  	s1 =	simm.s32 $0x0;
	[sflag:s23] =	ssyncadd.s32 $0xFFFF8000  }
0x12f: {  	[tilespmem:s1], [sflag:$0x1] =	stream.strided.gather [hbm4b:s13+s20], $0x400, s21, s20, $0x38;
	[tilespmem:$0x18000] =	vst v63  }
0x130: {  	s6 =	sadd.s32 $0x10, s13;
	s8 =	simm.s32 $0x400  }
0x131: {  	[tilespmem:s8], [sflag:$0x1] =	stream.strided.gather [hbm4b:s6+s20], $0x400, s21, s20, $0x38;
	[tilespmem:$0x18000] =	vst v63  }
0x132: {  	s10 =	sadd.s32 $0x20, s13;
	s12 =	simm.s32 $0x800  }
0x133: {  	[tilespmem:s12], [sflag:$0x1] =	stream.strided.gather [hbm4b:s10+s20], $0x400, s21, s20, $0x38;
	[tilespmem:$0x18000] =	vst v63  }
0x134: {  	s0 =	simm.s32 $0x8000;
	s6 =	sadd.s32 $0x30, s13;
	s8 =	simm.s32 $0xC00  }
0x135: {  	[tilespmem:s8], [sflag:$0x1] =	stream.strided.gather [hbm4b:s6+s20], $0x400, s21, s20, $0x38;
	[tilespmem:$0x18000] =	vst v63  }
0x136: {  	s1 =	sadd.s32 $0x400, s13;
	s10 =	sadd.s32 $0x40, s13;
	s12 =	simm.s32 $0x1000  }
0x137: {  	[tilespmem:s12], [sflag:$0x1] =	stream.strided.gather [hbm4b:s10+s20], $0x400, s21, s20, $0x38;
	[tilespmem:$0x18000] =	vst v63  }
0x138: {  	s6 =	sadd.s32 $0x50, s13;
	s8 =	simm.s32 $0x1400;
	s10 =	sadd.s32 $0x60, s13  }
0x139: {  	[tilespmem:s8], [sflag:$0x1] =	stream.strided.gather [hbm4b:s6+s20], $0x400, s21, s20, $0x38;
	[tilespmem:$0x18000] =	vst v63  }
0x13a: {  	s12 =	simm.s32 $0x1800;
	s6 =	sadd.s32 $0x70, s13;
	s8 =	simm.s32 $0x1C00  }
0x13b: {  	[tilespmem:s12], [sflag:$0x1] =	stream.strided.gather [hbm4b:s10+s20], $0x400, s21, s20, $0x38;
	[tilespmem:$0x18000] =	vst v63  }
.LBB2_14:
0x13c: {  	[tilespmem:s8], [sflag:$0x1] =	stream.strided.gather [hbm4b:s6+s20], $0x400, s21, s20, $0x38;
	[tilespmem:$0x18000] =	vst v63  }
0x13d: {  	s8 =	sshra.s32 s0, $0x2;
	p0 =	sne.s32 s0, $0x18000;
	s0 =	sadd.s32 $0x8000, s0  }
0x13e: {  	[tilespmem:s8], [sflag:$0x1] =	stream.strided.gather [hbm4b:s1+s20], $0x400, s21, s20, $0x38;
	[tilespmem:$0x18000] =	vst v63  }
0x13f: {  	s6 =	sadd.s32 $0x10, s1;
	s10 =	sadd.s32 $0x400, s8  }
0x140: {  	[tilespmem:s10], [sflag:$0x1] =	stream.strided.gather [hbm4b:s6+s20], $0x400, s21, s20, $0x38;
	[tilespmem:$0x18000] =	vst v63  }
0x141: {  	s6 =	sadd.s32 $0x20, s1;
	s10 =	sadd.s32 $0x800, s8  }
0x142: {  	[tilespmem:s10], [sflag:$0x1] =	stream.strided.gather [hbm4b:s6+s20], $0x400, s21, s20, $0x38;
	[tilespmem:$0x18000] =	vst v63  }
0x143: {  	s6 =	sadd.s32 $0x30, s1;
	s10 =	sadd.s32 $0xC00, s8  }
0x144: {  	[tilespmem:s10], [sflag:$0x1] =	stream.strided.gather [hbm4b:s6+s20], $0x400, s21, s20, $0x38;
	[tilespmem:$0x18000] =	vst v63  }
0x145: {  	s6 =	sadd.s32 $0x40, s1;
	s10 =	sadd.s32 $0x1000, s8  }
0x146: {  	[tilespmem:s10], [sflag:$0x1] =	stream.strided.gather [hbm4b:s6+s20], $0x400, s21, s20, $0x38;
	[tilespmem:$0x18000] =	vst v63  }
.Ltmp6:
0x147: {  	s6 =	sadd.s32 $0x50, s1;
	s10 =	sadd.s32 $0x1400, s8;
	(pc) =	sbr.rel @p0 .LBB2_14-.Ltmp6, $4  }
0x148: {  	[tilespmem:s10], [sflag:$0x1] =	stream.strided.gather [hbm4b:s6+s20], $0x400, s21, s20, $0x38;
	[tilespmem:$0x18000] =	vst v63  }
0x149: {  	s6 =	sadd.s32 $0x60, s1;
	s10 =	sadd.s32 $0x1800, s8  }
0x14a: {  	[tilespmem:s10], [sflag:$0x1] =	stream.strided.gather [hbm4b:s6+s20], $0x400, s21, s20, $0x38;
	[tilespmem:$0x18000] =	vst v63  }
0x14b: {  	s8 =	sadd.s32 $0x1C00, s8;
	s6 =	sadd.s32 $0x70, s1;
	s1 =	sadd.s32 $0x400, s1  }
0x14c: {  	[tilespmem:s8], [sflag:$0x1] =	stream.strided.gather [hbm4b:s6+s20], $0x400, s21, s20, $0x38;
	[tilespmem:$0x18000] =	vst v63  }
0x14d: {  	_ =	swait.ge [sflag:s24], $0x8000  }
0x14e: {  	[sflag:s24] =	ssyncset.done $0x0  }
0x14f: {  	s0 =	simm.s32 $0x0;
	[sflag:s24] =	ssyncadd.s32 $0xFFFF8000  }
0x150: {  	[hbm4b:s14+s0] =	stream.linear.scatter [tilespmem:s25], [sflag:$0x5], $0x8000, $0x38;
	[tilespmem:$0x18000] =	vst v63  }
0x151: {  	_ =	swait.ge [sflag:s26], $0x8000  }
0x152: {  	[sflag:s26] =	ssyncset.done $0x0  }
0x153: {  	s6 =	simm.s32 $0x8000;
	[sflag:s26] =	ssyncadd.s32 $0xFFFF8000  }
0x154: {  	[tilespmem:s6], [sflag:$0x2] =	stream.strided.gather [hbm4b:s15+s20], $0x400, s21, s20, $0x38;
	[tilespmem:$0x18000] =	vst v63  }
0x155: {  	s8 =	sadd.s32 $0x10, s15;
	s1 =	simm.s32 $0x8400  }
0x156: {  	[tilespmem:s1], [sflag:$0x2] =	stream.strided.gather [hbm4b:s8+s20], $0x400, s21, s20, $0x38;
	[tilespmem:$0x18000] =	vst v63  }
0x157: {  	s10 =	sadd.s32 $0x20, s15;
	s12 =	simm.s32 $0x8800  }
0x158: {  	[tilespmem:s12], [sflag:$0x2] =	stream.strided.gather [hbm4b:s10+s20], $0x400, s21, s20, $0x38;
	[tilespmem:$0x18000] =	vst v63  }
0x159: {  	s6 =	sadd.s32 $0x30, s15;
	s8 =	simm.s32 $0x8C00  }
0x15a: {  	[tilespmem:s8], [sflag:$0x2] =	stream.strided.gather [hbm4b:s6+s20], $0x400, s21, s20, $0x38;
	[tilespmem:$0x18000] =	vst v63  }
0x15b: {  	s10 =	sadd.s32 $0x40, s15;
	s12 =	simm.s32 $0x9000  }
0x15c: {  	[tilespmem:s12], [sflag:$0x2] =	stream.strided.gather [hbm4b:s10+s20], $0x400, s21, s20, $0x38;
	[tilespmem:$0x18000] =	vst v63  }
0x15d: {  	s0 =	simm.s32 $0x2000;
	s6 =	sadd.s32 $0x50, s15;
	s8 =	simm.s32 $0x9400  }
0x15e: {  	[tilespmem:s8], [sflag:$0x2] =	stream.strided.gather [hbm4b:s6+s20], $0x400, s21, s20, $0x38;
	[tilespmem:$0x18000] =	vst v63  }
0x15f: {  	s1 =	sadd.s32 $0x400, s15;
	s10 =	sadd.s32 $0x60, s15;
	s12 =	simm.s32 $0x9800  }
0x160: {  	[tilespmem:s12], [sflag:$0x2] =	stream.strided.gather [hbm4b:s10+s20], $0x400, s21, s20, $0x38;
	[tilespmem:$0x18000] =	vst v63  }
0x161: {  	s6 =	simm.s32 $0x10000;
	s8 =	sadd.s32 $0x70, s15;
	s10 =	simm.s32 $0x9C00  }
.LBB2_16:
0x162: {  	[tilespmem:s10], [sflag:$0x2] =	stream.strided.gather [hbm4b:s8+s20], $0x400, s21, s20, $0x38;
	[tilespmem:$0x18000] =	vst v63  }
0x163: {  	s10 =	smov.u32 s0;
	s0 =	smov.u32 s6  }
0x164: {  	s12 =	sadd.s32 $0x8000, s6;
	s0 =	sshra.s32 s0, $0x2;
	s8 =	sadd.s32 $0x8000, s10  }
0x165: {  	[tilespmem:s8], [sflag:$0x2] =	stream.strided.gather [hbm4b:s1+s20], $0x400, s21, s20, $0x38;
	[tilespmem:$0x18000] =	vst v63  }
0x166: {  	p0 =	sne.s32 s6, $0x18000;
	s6 =	sadd.s32 $0x10, s1;
	s8 =	sadd.s32 $0x8400, s10  }
0x167: {  	[tilespmem:s8], [sflag:$0x2] =	stream.strided.gather [hbm4b:s6+s20], $0x400, s21, s20, $0x38;
	[tilespmem:$0x18000] =	vst v63  }
0x168: {  	s6 =	sadd.s32 $0x20, s1;
	s8 =	sadd.s32 $0x8800, s10  }
0x169: {  	[tilespmem:s8], [sflag:$0x2] =	stream.strided.gather [hbm4b:s6+s20], $0x400, s21, s20, $0x38;
	[tilespmem:$0x18000] =	vst v63  }
0x16a: {  	s6 =	sadd.s32 $0x30, s1;
	s8 =	sadd.s32 $0x8C00, s10  }
0x16b: {  	[tilespmem:s8], [sflag:$0x2] =	stream.strided.gather [hbm4b:s6+s20], $0x400, s21, s20, $0x38;
	[tilespmem:$0x18000] =	vst v63  }
0x16c: {  	s6 =	sadd.s32 $0x40, s1;
	s8 =	sadd.s32 $0x9000, s10  }
0x16d: {  	[tilespmem:s8], [sflag:$0x2] =	stream.strided.gather [hbm4b:s6+s20], $0x400, s21, s20, $0x38;
	[tilespmem:$0x18000] =	vst v63  }
.Ltmp7:
0x16e: {  	s6 =	sadd.s32 $0x50, s1;
	s8 =	sadd.s32 $0x9400, s10;
	(pc) =	sbr.rel @p0 .LBB2_16-.Ltmp7, $4  }
0x16f: {  	[tilespmem:s8], [sflag:$0x2] =	stream.strided.gather [hbm4b:s6+s20], $0x400, s21, s20, $0x38;
	[tilespmem:$0x18000] =	vst v63  }
0x170: {  	s6 =	sadd.s32 $0x60, s1;
	s8 =	sadd.s32 $0x9800, s10;
	s10 =	sadd.s32 $0x9C00, s10  }
0x171: {  	[tilespmem:s8], [sflag:$0x2] =	stream.strided.gather [hbm4b:s6+s20], $0x400, s21, s20, $0x38;
	[tilespmem:$0x18000] =	vst v63  }
0x172: {  	s8 =	sadd.s32 $0x70, s1;
	s1 =	sadd.s32 $0x400, s1;
	s6 =	smov.u32 s12  }
0x173: {  	[tilespmem:s10], [sflag:$0x2] =	stream.strided.gather [hbm4b:s8+s20], $0x400, s21, s20, $0x38;
	[tilespmem:$0x18000] =	vst v63  }
0x174: {  	s6 =	sadd.s32 $0x8000, s0  }
0x175: {  	[tilespmem:s6], [sflag:$0x2] =	stream.strided.gather [hbm4b:s1+s20], $0x400, s21, s20, $0x38;
	[tilespmem:$0x18000] =	vst v63  }
0x176: {  	s10 =	sadd.s32 $0x10, s1;
	s12 =	sadd.s32 $0x8400, s0  }
0x177: {  	[tilespmem:s12], [sflag:$0x2] =	stream.strided.gather [hbm4b:s10+s20], $0x400, s21, s20, $0x38;
	[tilespmem:$0x18000] =	vst v63  }
0x178: {  	s10 =	sadd.s32 $0x20, s1;
	s12 =	sadd.s32 $0x8800, s0  }
0x179: {  	[tilespmem:s12], [sflag:$0x2] =	stream.strided.gather [hbm4b:s10+s20], $0x400, s21, s20, $0x38;
	[tilespmem:$0x18000] =	vst v63  }
0x17a: {  	s10 =	sadd.s32 $0x30, s1;
	s12 =	sadd.s32 $0x8C00, s0  }
0x17b: {  	[tilespmem:s12], [sflag:$0x2] =	stream.strided.gather [hbm4b:s10+s20], $0x400, s21, s20, $0x38;
	[tilespmem:$0x18000] =	vst v63  }
0x17c: {  	s10 =	sadd.s32 $0x40, s1;
	s12 =	sadd.s32 $0x9000, s0  }
0x17d: {  	[tilespmem:s12], [sflag:$0x2] =	stream.strided.gather [hbm4b:s10+s20], $0x400, s21, s20, $0x38;
	[tilespmem:$0x18000] =	vst v63  }
0x17e: {  	s10 =	sadd.s32 $0x50, s1;
	s12 =	sadd.s32 $0x9400, s0  }
0x17f: {  	[tilespmem:s12], [sflag:$0x2] =	stream.strided.gather [hbm4b:s10+s20], $0x400, s21, s20, $0x38;
	[tilespmem:$0x18000] =	vst v63  }
0x180: {  	s10 =	sadd.s32 $0x60, s1;
	s12 =	sadd.s32 $0x9800, s0  }
0x181: {  	[tilespmem:s12], [sflag:$0x2] =	stream.strided.gather [hbm4b:s10+s20], $0x400, s21, s20, $0x38;
	[tilespmem:$0x18000] =	vst v63  }
0x182: {  	s10 =	sadd.s32 $0x70, s1;
	s12 =	sadd.s32 $0x9C00, s0  }
0x183: {  	[tilespmem:s12], [sflag:$0x2] =	stream.strided.gather [hbm4b:s10+s20], $0x400, s21, s20, $0x38;
	[tilespmem:$0x18000] =	vst v63  }
0x184: {  	_ =	swait.ge [sflag:s28], $0x8000  }
0x185: {  	[sflag:s28] =	ssyncset.done $0x0  }
0x186: {  	[sflag:s28] =	ssyncadd.s32 $0xFFFF8000  }
0x187: {  	[hbm4b:s16+s2] =	stream.linear.scatter [tilespmem:s29], [sflag:$0x6], $0x8000, $0x38;
	[tilespmem:$0x18000] =	vst v63  }
0x188: {  	_ =	swait.ge [sflag:s22], $0x8000  }
0x189: {  	[sflag:s22] =	ssyncset.done $0x0  }
0x18a: {  	[sflag:s22] =	ssyncadd.s32 $0xFFFF8000  }
0x18b: {  	[hbm4b:s17+s2] =	stream.linear.scatter [tilespmem:s2], [sflag:$0x4], $0x8000, $0x38;
	[tilespmem:$0x18000] =	vst v63  }
0x18c: {  	_ =	swait.ge [sflag:s24], $0x8000  }
0x18d: {  	[sflag:s24] =	ssyncset.done $0x0  }
0x18e: {  	[sflag:s24] =	ssyncadd.s32 $0xFFFF8000  }
0x18f: {  	[hbm4b:s18+s2] =	stream.linear.scatter [tilespmem:s25], [sflag:$0x5], $0x8000, $0x38;
	[tilespmem:$0x18000] =	vst v63  }
0x190: {  	_ =	swait.ge [sflag:s30], $0x8000  }
0x191: {  	[sflag:s30] =	ssyncset.done $0x0  }
0x192: {  	s31 =	sadd.s32 $0x1, s31;
	[sflag:s30] =	ssyncadd.s32 $0xFFFF8000  }
0x193: {  	p0 =	sne.s32 s31, s19;
	_ =	swait.ge [sflag:s23], $0x8000  }
.Ltmp8:
0x194: {  	[sflag:s23] =	ssyncset.done $0x0;
	(pc) =	sbr.rel @p0 .LBB2_1-.Ltmp8, $4  }
0x195: {  	[sflag:s23] =	ssyncadd.s32 $0xFFFF8000  }
0x196: {  	_ =	swait.ge [sflag:s26], $0x8000  }
0x197: {  	[sflag:s26] =	ssyncset.done $0x0  }
0x198: {  	[sflag:s26] =	ssyncadd.s32 $0xFFFF8000  }
0x199: {  	_ =	sfence.sel $0x180000  }
0x19a: {  	[bflag:$0x0] =	sbarrier.arrive $0xFFFF  }
0x19b: {  	_ =	strace $0x90000047  }
0x19c: {  	s0 =	stileid.u32;
	[bflag:$0x2] =	sbarrier.arrive $0xFFFF  }
0x19d: {  	p0 =	sne.s32 s0, $0x0;
	s0 =	rddreg [dreg:$0x2]  }
0x19e: {  	s0 =	sadd.s32 @!p0 $0x100000, s0  }
0x19f: {  	[sflag:s0] =	ssyncadd.tile.s32 @!p0 $0x1;
	_ =	shalt  }
.Lfunc_end2:
_tile_overlayer_lowered:
.L_overlay_start_2:
0x1a0: {  	(tag) =	ssettag $0x2  }
0x1a1: {  	s0 =	rddreg [dreg:$0x0];
	s2 =	stileid.u32  }
0x1a2: {  	s1 =	rddreg [dreg:$0x1];
	p0 =	sne.s32 s2, $0x0  }
0x1a3: {  	s3 =	rddreg [dreg:$0x2];
	[bflag:$0x3] =	sbarrier.arrive $0xFFFF;
	s2 =	simm.s32 @!p0 $0x1C07  }
0x1a4: {  	[timem:s3], [sflag:s2] =	dma.local @!p0 [hbm:s0], s1  }
0x1a5: {  	s0 =	simm.s32 @!p0 $0x7  }
0x1a6: {  	_ =	swait.ge @!p0 [sflag:s0], s1  }
0x1a7: {  	s1 =	ssub.s32 @!p0 $0x0, s1;
	[sflag:s0] =	ssyncset.done @!p0 $0x0  }
0x1a8: {  	[sflag:s0] =	ssyncadd.s32 @!p0 s1  }
0x1a9: {  	[bflag:$0x3] =	sbarrier.arrive $0xFFFF  }
0x1aa: {  	_ =	shalt  }

</sc_bundles>
